<compile_context>
chip_gen: v7x
topology: tpu7x:2x2x1
jax: 0.10.2.dev20260603
libtpu: 0.0.44.dev20260713+nightly
codegen_flags: <defaults>
</compile_context>

<pallas_src>
import jax
import jax.numpy as jnp
from jax import lax
from jax.experimental import pallas as pl
from jax.experimental.pallas import tpu as pltpu
from jax.experimental.pallas import tpu_sc as plsc

HID = 1024
INTER = 4096
NE = 8
S = 2048
LANES = 128
BLK = 256
NB = S * 2 // BLK + NE
RPAD = NB * BLK


def _gate_body(x_ref, w_ref, b_ref, gw_ref, i1_ref, i2_ref):
    lg = jnp.dot(x_ref[...], w_ref[...], preferred_element_type=jnp.float32)
    lg = lg + b_ref[...]
    lanes = jax.lax.broadcasted_iota(jnp.int32, lg.shape, 1)
    m1 = jnp.max(lg, axis=1, keepdims=True)
    i1 = jnp.min(jnp.where(lg == m1, lanes, LANES), axis=1, keepdims=True)
    lg2 = jnp.where(lanes == i1, -3e38, lg)
    m2 = jnp.max(lg2, axis=1, keepdims=True)
    i2 = jnp.min(jnp.where(lg2 == m2, lanes, LANES), axis=1, keepdims=True)
    e2 = jnp.exp(m2 - m1)
    w1 = 1.0 / (1.0 + e2)
    w2 = 1.0 - w1
    gw = jnp.where(lanes == i1, w1, 0.0) + jnp.where(lanes == i2, w2, 0.0)
    gw_ref[...] = gw
    i1_ref[...] = jnp.broadcast_to(i1, lg.shape)
    i2_ref[...] = jnp.broadcast_to(i2, lg.shape)


def _gate(x2d, gate_W, gate_b):
    gWp = jnp.pad(gate_W, ((0, 0), (0, LANES - NE)))
    gbp = jnp.concatenate(
        [gate_b, jnp.full((LANES - NE,), -1e30, jnp.float32)]).reshape(1, LANES)
    return pl.pallas_call(
        _gate_body,
        out_shape=(
            jax.ShapeDtypeStruct((S, LANES), jnp.float32),
            jax.ShapeDtypeStruct((S, LANES), jnp.int32),
            jax.ShapeDtypeStruct((S, LANES), jnp.int32),
        ),
    )(x2d, gWp, gbp)


IC = 8
IQ = INTER // IC


def _gelu(h):
    return 0.5 * h * (1.0 + jax.lax.erf(h * 0.7071067811865476))


NTB = S // BLK


def _ffn_body(be_ref, live_ref, p0_ref, p1_ref, xg_ref, w1_ref, b1_ref,
              w2_ref, b2_ref, ws_ref, out_ref, acc_ref):
    ic = pl.program_id(0)
    b = pl.program_id(1)

    @pl.when(jnp.logical_and(ic < IC, live_ref[b] == 1))
    def _():
        rows = pl.ds(b * BLK, BLK)
        h = jnp.dot(xg_ref[rows, :], w1_ref[0],
                    preferred_element_type=jnp.float32)
        h = _gelu(h + b1_ref[0])
        contrib = jnp.dot(h, w2_ref[0], preferred_element_type=jnp.float32)

        @pl.when(ic == 0)
        def _():
            acc_ref[rows, :] = contrib

        @pl.when(ic > 0)
        def _():
            acc_ref[rows, :] = acc_ref[rows, :] + contrib

        @pl.when(ic == IC - 1)
        def _():
            acc_ref[rows, :] = (acc_ref[rows, :] + b2_ref[0]) * ws_ref[...]

    @pl.when(jnp.logical_and(ic == IC, b < NTB))
    def _():
        def tok(i, _):
            t = b * BLK + i
            r0 = acc_ref[pl.ds(p0_ref[t], 1), :]
            r1 = acc_ref[pl.ds(p1_ref[t], 1), :]
            out_ref[pl.ds(i, 1), :] = r0 + r1
            return 0

        lax.fori_loop(0, BLK, tok, 0)


def _grouped_ffn(xg16, W1, b1, W2, b2, ws, be, live, p0, p1):
    icl = lambda ic: jnp.minimum(ic, IC - 1)
    wsel = lambda ic, b, be: jnp.where(ic == IC, 0, be[b])
    grid_spec = pltpu.PrefetchScalarGridSpec(
        num_scalar_prefetch=4,
        grid=(IC + 1, NB),
        in_specs=[
            pl.BlockSpec((RPAD, HID), lambda ic, b, be, lv, p0, p1: (0, 0)),
            pl.BlockSpec((1, HID, IQ),
                         lambda ic, b, be, lv, p0, p1: (wsel(ic, b, be), 0, icl(ic))),
            pl.BlockSpec((1, 1, IQ),
                         lambda ic, b, be, lv, p0, p1: (wsel(ic, b, be), 0, icl(ic))),
            pl.BlockSpec((1, IQ, HID),
                         lambda ic, b, be, lv, p0, p1: (wsel(ic, b, be), icl(ic), 0)),
            pl.BlockSpec((1, 1, HID),
                         lambda ic, b, be, lv, p0, p1: (wsel(ic, b, be), 0, 0)),
            pl.BlockSpec((BLK, 1), lambda ic, b, be, lv, p0, p1: (b, 0)),
        ],
        out_specs=pl.BlockSpec(
            (BLK, HID),
            lambda ic, b, be, lv, p0, p1:
                (jnp.where(ic == IC, jnp.minimum(b, NTB - 1), 0), 0)),
        scratch_shapes=[pltpu.VMEM((RPAD, HID), jnp.float32)],
    )
    return pl.pallas_call(
        _ffn_body,
        grid_spec=grid_spec,
        out_shape=jax.ShapeDtypeStruct((S, HID), jnp.float32),
        compiler_params=pltpu.CompilerParams(
            dimension_semantics=("arbitrary", "arbitrary"),
            vmem_limit_bytes=63 * 1024 * 1024,
        ),
    )(be, live, p0, p1, xg16, W1, b1.reshape(NE, 1, INTER), W2,
      b2.reshape(NE, 1, HID), ws)


NW = 32
BPW = RPAD // NW
GCH = 48


def _sc_gather(x32, gidx):
    nch = BPW // GCH

    def body(tbl_ref, idx_ref, out_ref, idxv, rows0, rows1, gs0, gs1,
             ws0, ws1):
        wid = lax.axis_index("s") * 2 + lax.axis_index("c")
        base = wid * BPW
        pltpu.sync_copy(idx_ref.at[pl.ds(base, BPW)], idxv)
        bufs = (rows0, rows1)
        gsems = (gs0, gs1)
        wsems = (ws0, ws1)
        gathers = [None] * nch
        wbacks = [None] * nch
        for c in range(min(2, nch)):
            gathers[c] = pltpu.async_copy(
                tbl_ref.at[idxv.at[pl.ds(c * GCH, GCH)]], bufs[c % 2],
                gsems[c % 2])
        for c in range(nch):
            gathers[c].wait()
            wbacks[c] = pltpu.async_copy(
                bufs[c % 2], out_ref.at[pl.ds(base + c * GCH, GCH)],
                wsems[c % 2])
            if c + 2 < nch:
                wbacks[c].wait()
                gathers[c + 2] = pltpu.async_copy(
                    tbl_ref.at[idxv.at[pl.ds((c + 2) * GCH, GCH)]],
                    bufs[c % 2], gsems[c % 2])
        for c in range(max(0, nch - 2), nch):
            wbacks[c].wait()

    return pl.kernel(
        body,
        out_type=jax.ShapeDtypeStruct((RPAD, HID), jnp.float32),
        mesh=plsc.VectorSubcoreMesh(core_axis_name="c", subcore_axis_name="s"),
        scratch_types=[
            pltpu.VMEM((BPW,), jnp.int32),
            pltpu.VMEM((GCH, HID), jnp.float32),
            pltpu.VMEM((GCH, HID), jnp.float32),
            pltpu.SemaphoreType.DMA,
            pltpu.SemaphoreType.DMA,
            pltpu.SemaphoreType.DMA,
            pltpu.SemaphoreType.DMA,
        ],
    )(x32, gidx)


def kernel(x, gate_W, gate_b, W1, b1, W2, b2):
    x2d = x[0]
    gwfull, i1b, i2b = _gate(x2d, gate_W, gate_b)
    gw8 = gwfull[:, :NE]
    i1 = i1b[:, 0]
    i2 = i2b[:, 0]

    e_flat = jnp.stack([i1, i2], axis=1).reshape(-1)
    oh = (e_flat[:, None] == jnp.arange(NE)[None, :]).astype(jnp.int32)
    rank_all = jnp.cumsum(oh, axis=0) - oh
    rank = jnp.take_along_axis(rank_all, e_flat[:, None], axis=1)[:, 0]
    counts = jnp.sum(oh, axis=0)
    pc = ((counts + BLK - 1) // BLK) * BLK
    pbase = jnp.concatenate([jnp.zeros((1,), jnp.int32),
                             jnp.cumsum(pc)[:-1].astype(jnp.int32)])
    padded_pos = pbase[e_flat] + rank
    src_token = jnp.arange(2 * S, dtype=jnp.int32) // 2
    gidx = jnp.zeros((RPAD,), jnp.int32).at[padded_pos].set(src_token)
    w_flat = jnp.take_along_axis(gw8, e_flat.reshape(S, 2), axis=1).reshape(-1)
    ws = jnp.zeros((RPAD,), jnp.float32).at[padded_pos].set(w_flat)
    p0 = padded_pos[0::2]
    p1 = padded_pos[1::2]
    nb_e = pc // BLK
    cumnb = jnp.cumsum(nb_e)
    n_live = cumnb[-1]
    live = (jnp.arange(NB) < n_live).astype(jnp.int32)
    e_last = jnp.max(jnp.where(pc > 0, jnp.arange(NE), 0)).astype(jnp.int32)
    be = jnp.where(
        live == 1,
        jnp.searchsorted(cumnb, jnp.arange(NB), side="right"),
        e_last,
    ).astype(jnp.int32)

    xg = _sc_gather(x2d, gidx)

    out = _grouped_ffn(xg, W1, b1, W2, b2, ws.reshape(RPAD, 1), be, live,
                       p0.astype(jnp.int32), p1.astype(jnp.int32))
    return (out[None], gw8[None])

# --- scband reference (transcript-rebuilt; emitter-appended) ---
"""Pipeline reference for scband-mo-efeed-forward-82317343195589 (READ-ONLY COPY).

The authoritative reference and input builder live on the scoring server;
editing this copy changes nothing except your own understanding.
"""

import jax, jax.numpy as jnp
import numpy as np

HIDDEN = 1024
INTER = 4096
E = 8
TOP_K = 2


def setup_inputs(seed: int = 0) -> dict:
    key = jax.random.key(seed)
    ks = jax.random.split(key, 8)
    x = jax.random.normal(ks[0], (1, 2048, HIDDEN), dtype=jnp.float32)
    gate_W = jax.random.normal(ks[1], (HIDDEN, E), dtype=jnp.float32) * 0.02
    gate_b = jnp.zeros((E,), dtype=jnp.float32)
    W1 = jax.random.normal(ks[2], (E, HIDDEN, INTER), dtype=jnp.float32) * 0.02
    b1 = jnp.zeros((E, INTER), dtype=jnp.float32)
    W2 = jax.random.normal(ks[3], (E, INTER, HIDDEN), dtype=jnp.float32) * 0.02
    b2 = jnp.zeros((E, HIDDEN), dtype=jnp.float32)
    return {"x": x, "gate_W": gate_W, "gate_b": gate_b, "W1": W1, "b1": b1, "W2": W2, "b2": b2}


def reference(x, gate_W, gate_b, W1, b1, W2, b2):
    # gate
    gate_logits = jnp.einsum('bsh,he->bse', x, gate_W) + gate_b  # [B,S,E]
    # top-k sparse gating: keep top_k logits, set rest to -inf, softmax
    topk_values, topk_indices = jax.lax.top_k(gate_logits, TOP_K)  # [B,S,k]
    sel = jax.nn.one_hot(topk_indices, E, dtype=gate_logits.dtype).sum(axis=-2)  # [B,S,E] in {0,1}
    masked = jnp.where(sel > 0, gate_logits, -jnp.inf)
    gate_weights = jax.nn.softmax(masked, axis=-1)  # [B,S,E]
    # dense evaluation of all experts (as in the torch module)
    h = jnp.einsum('bsh,ehi->bsei', x, W1) + b1[None, None, :, :]
    h = jax.nn.gelu(h, approximate=False)
    expert_outputs = jnp.einsum('bsei,eih->bseh', h, W2) + b2[None, None, :, :]  # [B,S,E,H]
    weighted = expert_outputs * gate_weights[..., :, None]
    output = weighted.sum(axis=2)  # [B,S,H]
    # dropout(p=0.0) is identity in this reference (eval-mode)
    return (output, gate_weights)

if __name__ == "__main__":
    import jax
    _d = setup_inputs()
    print(jax.jit(kernel)(*tuple(_d.values())))

</pallas_src>

<mosaic_0001>
#map = affine_map<(d0, d1) -> (0, 0)>
#map1 = affine_map<(d0, d1) -> (0)>
module attributes {stable_mosaic.version = 14 : i64} {
  func.func @body(%arg0: i32, %arg1: i32, %arg2: memref<2048x1024xf32, #tpu.memory_space<hbm>>, %arg3: memref<6144xi32, #tpu.memory_space<hbm>>, %arg4: memref<6144x1024xf32, #tpu.memory_space<hbm>>, %arg5: memref<192xi32, #tpu.memory_space<vmem>>, %arg6: memref<48x1024xf32, #tpu.memory_space<vmem>>, %arg7: memref<48x1024xf32, #tpu.memory_space<vmem>>, %arg8: memref<!tpu.dma_semaphore, #tpu.memory_space<semaphore_mem>>, %arg9: memref<!tpu.dma_semaphore, #tpu.memory_space<semaphore_mem>>, %arg10: memref<!tpu.dma_semaphore, #tpu.memory_space<semaphore_mem>>, %arg11: memref<!tpu.dma_semaphore, #tpu.memory_space<semaphore_mem>>) attributes {dimension_semantics = [#tpu.dimension_semantics<core_parallel>, #tpu.dimension_semantics<subcore_parallel>], iteration_bounds = array<i64: 2, 16>, scalar_prefetch = 0 : i64, scratch_operands = 7 : i64, tpu.core_type = #tpu.core_type<sc_vector_subcore>, window_params = [{transform_indices = #map}, {transform_indices = #map1}, {transform_indices = #map}]} {
    %mul3A = arith.constant 2 : i32
    %mul3A_0 = arith.muli %arg1, %mul3A : i32
    %add3A = arith.addi %mul3A_0, %arg0 : i32
    %mul3A_1 = arith.constant 192 : i32
    %mul3A_2 = arith.muli %add3A, %mul3A_1 : i32
    "tpu.region"() ({
      %run_scoped3A = tpu.sem_alloc : memref<!tpu.dma_semaphore, #tpu.memory_space<semaphore_mem>>
      %dma_start3A_81 = tpu.memref_slice %arg3[%mul3A_2] : memref<6144xi32, #tpu.memory_space<hbm>> -> memref<192xi32, #tpu.memory_space<hbm>>
      %dma_start3A_82 = tpu.memref_slice %arg3[%mul3A_2] : memref<6144xi32, #tpu.memory_space<hbm>> -> memref<192xi32, #tpu.memory_space<hbm>>
      tpu.enqueue_dma source(%dma_start3A_82 : memref<192xi32, #tpu.memory_space<hbm>>) target(%arg5 : memref<192xi32, #tpu.memory_space<vmem>>) target_semaphore(%run_scoped3A : memref<!tpu.dma_semaphore, #tpu.memory_space<semaphore_mem>>)
      %dma_wait3A_83 = tpu.memref_slice %arg3[%mul3A_2] : memref<6144xi32, #tpu.memory_space<hbm>> -> memref<192xi32, #tpu.memory_space<hbm>>
      %dma_wait3A_84 = tpu.memref_slice %arg3[%mul3A_2] : memref<6144xi32, #tpu.memory_space<hbm>> -> memref<192xi32, #tpu.memory_space<hbm>>
      tpu.wait_dma2 semaphore(%run_scoped3A : memref<!tpu.dma_semaphore, #tpu.memory_space<semaphore_mem>>) src(%dma_wait3A_84 : memref<192xi32, #tpu.memory_space<hbm>>) dst(%arg5 : memref<192xi32, #tpu.memory_space<vmem>>)
      tpu.yield
    }) : () -> ()
    %dma_start3A = arith.constant 0 : i32
    %dma_start3A_3 = tpu.memref_slice %arg5[%dma_start3A] : memref<192xi32, #tpu.memory_space<vmem>> -> memref<48xi32, #tpu.memory_space<vmem>>
    %dma_start3A_4 = arith.constant 0 : i32
    %dma_start3A_5 = arith.constant 0 : i32
    %dma_start3A_6 = tpu.memref_slice %arg2[%dma_start3A_4, %dma_start3A_5] : memref<2048x1024xf32, #tpu.memory_space<hbm>> -> memref<2048x1024xf32, #tpu.memory_space<hbm>>
    tpu.enqueue_indirect_dma source(%dma_start3A_6 : memref<2048x1024xf32, #tpu.memory_space<hbm>>) target(%arg6 : memref<48x1024xf32, #tpu.memory_space<vmem>>) offsets(%dma_start3A_3 : memref<48xi32, #tpu.memory_space<vmem>>) semaphore(%arg8 : memref<!tpu.dma_semaphore, #tpu.memory_space<semaphore_mem>>)
    %dma_start3A_7 = arith.constant 48 : i32
    %dma_start3A_8 = tpu.memref_slice %arg5[%dma_start3A_7] : memref<192xi32, #tpu.memory_space<vmem>> -> memref<48xi32, #tpu.memory_space<vmem>>
    %dma_start3A_9 = arith.constant 0 : i32
    %dma_start3A_10 = arith.constant 0 : i32
    %dma_start3A_11 = tpu.memref_slice %arg2[%dma_start3A_9, %dma_start3A_10] : memref<2048x1024xf32, #tpu.memory_space<hbm>> -> memref<2048x1024xf32, #tpu.memory_space<hbm>>
    tpu.enqueue_indirect_dma source(%dma_start3A_11 : memref<2048x1024xf32, #tpu.memory_space<hbm>>) target(%arg7 : memref<48x1024xf32, #tpu.memory_space<vmem>>) offsets(%dma_start3A_8 : memref<48xi32, #tpu.memory_space<vmem>>) semaphore(%arg9 : memref<!tpu.dma_semaphore, #tpu.memory_space<semaphore_mem>>)
    %dma_wait3A = arith.constant 0 : i32
    %dma_wait3A_12 = tpu.memref_slice %arg5[%dma_wait3A] : memref<192xi32, #tpu.memory_space<vmem>> -> memref<48xi32, #tpu.memory_space<vmem>>
    %dma_wait3A_13 = arith.constant 0 : i32
    %dma_wait3A_14 = arith.constant 0 : i32
    %dma_wait3A_15 = tpu.memref_slice %arg2[%dma_wait3A_13, %dma_wait3A_14] : memref<2048x1024xf32, #tpu.memory_space<hbm>> -> memref<2048x1024xf32, #tpu.memory_space<hbm>>
    tpu.wait_indirect_dma semaphore(%arg8 : memref<!tpu.dma_semaphore, #tpu.memory_space<semaphore_mem>>) src(%dma_wait3A_15 : memref<2048x1024xf32, #tpu.memory_space<hbm>>) dst(%arg6 : memref<48x1024xf32, #tpu.memory_space<vmem>>)
    %add3A_16 = arith.constant 0 : i32
    %add3A_17 = arith.addi %mul3A_2, %add3A_16 : i32
    %dma_start3A_18 = arith.constant 0 : i32
    %dma_start3A_19 = tpu.memref_slice %arg4[%add3A_17, %dma_start3A_18] : memref<6144x1024xf32, #tpu.memory_space<hbm>> -> memref<48x1024xf32, #tpu.memory_space<hbm>>
    %dma_start3A_20 = arith.constant 0 : i32
    %dma_start3A_21 = tpu.memref_slice %arg4[%add3A_17, %dma_start3A_20] : memref<6144x1024xf32, #tpu.memory_space<hbm>> -> memref<48x1024xf32, #tpu.memory_space<hbm>>
    tpu.enqueue_dma source(%arg6 : memref<48x1024xf32, #tpu.memory_space<vmem>>) target(%dma_start3A_21 : memref<48x1024xf32, #tpu.memory_space<hbm>>) target_semaphore(%arg10 : memref<!tpu.dma_semaphore, #tpu.memory_space<semaphore_mem>>)
    %dma_wait3A_22 = arith.constant 0 : i32
    %dma_wait3A_23 = tpu.memref_slice %arg4[%add3A_17, %dma_wait3A_22] : memref<6144x1024xf32, #tpu.memory_space<hbm>> -> memref<48x1024xf32, #tpu.memory_space<hbm>>
    %dma_wait3A_24 = arith.constant 0 : i32
    %dma_wait3A_25 = tpu.memref_slice %arg4[%add3A_17, %dma_wait3A_24] : memref<6144x1024xf32, #tpu.memory_space<hbm>> -> memref<48x1024xf32, #tpu.memory_space<hbm>>
    tpu.wait_dma2 semaphore(%arg10 : memref<!tpu.dma_semaphore, #tpu.memory_space<semaphore_mem>>) src(%arg6 : memref<48x1024xf32, #tpu.memory_space<vmem>>) dst(%dma_wait3A_25 : memref<48x1024xf32, #tpu.memory_space<hbm>>)
    %dma_start3A_26 = arith.constant 96 : i32
    %dma_start3A_27 = tpu.memref_slice %arg5[%dma_start3A_26] : memref<192xi32, #tpu.memory_space<vmem>> -> memref<48xi32, #tpu.memory_space<vmem>>
    %dma_start3A_28 = arith.constant 0 : i32
    %dma_start3A_29 = arith.constant 0 : i32
    %dma_start3A_30 = tpu.memref_slice %arg2[%dma_start3A_28, %dma_start3A_29] : memref<2048x1024xf32, #tpu.memory_space<hbm>> -> memref<2048x1024xf32, #tpu.memory_space<hbm>>
    tpu.enqueue_indirect_dma source(%dma_start3A_30 : memref<2048x1024xf32, #tpu.memory_space<hbm>>) target(%arg6 : memref<48x1024xf32, #tpu.memory_space<vmem>>) offsets(%dma_start3A_27 : memref<48xi32, #tpu.memory_space<vmem>>) semaphore(%arg8 : memref<!tpu.dma_semaphore, #tpu.memory_space<semaphore_mem>>)
    %dma_wait3A_31 = arith.constant 48 : i32
    %dma_wait3A_32 = tpu.memref_slice %arg5[%dma_wait3A_31] : memref<192xi32, #tpu.memory_space<vmem>> -> memref<48xi32, #tpu.memory_space<vmem>>
    %dma_wait3A_33 = arith.constant 0 : i32
    %dma_wait3A_34 = arith.constant 0 : i32
    %dma_wait3A_35 = tpu.memref_slice %arg2[%dma_wait3A_33, %dma_wait3A_34] : memref<2048x1024xf32, #tpu.memory_space<hbm>> -> memref<2048x1024xf32, #tpu.memory_space<hbm>>
    tpu.wait_indirect_dma semaphore(%arg9 : memref<!tpu.dma_semaphore, #tpu.memory_space<semaphore_mem>>) src(%dma_wait3A_35 : memref<2048x1024xf32, #tpu.memory_space<hbm>>) dst(%arg7 : memref<48x1024xf32, #tpu.memory_space<vmem>>)
    %add3A_36 = arith.constant 48 : i32
    %add3A_37 = arith.addi %mul3A_2, %add3A_36 : i32
    %dma_start3A_38 = arith.constant 0 : i32
    %dma_start3A_39 = tpu.memref_slice %arg4[%add3A_37, %dma_start3A_38] : memref<6144x1024xf32, #tpu.memory_space<hbm>> -> memref<48x1024xf32, #tpu.memory_space<hbm>>
    %dma_start3A_40 = arith.constant 0 : i32
    %dma_start3A_41 = tpu.memref_slice %arg4[%add3A_37, %dma_start3A_40] : memref<6144x1024xf32, #tpu.memory_space<hbm>> -> memref<48x1024xf32, #tpu.memory_space<hbm>>
    tpu.enqueue_dma source(%arg7 : memref<48x1024xf32, #tpu.memory_space<vmem>>) target(%dma_start3A_41 : memref<48x1024xf32, #tpu.memory_space<hbm>>) target_semaphore(%arg11 : memref<!tpu.dma_semaphore, #tpu.memory_space<semaphore_mem>>)
    %dma_wait3A_42 = arith.constant 0 : i32
    %dma_wait3A_43 = tpu.memref_slice %arg4[%add3A_37, %dma_wait3A_42] : memref<6144x1024xf32, #tpu.memory_space<hbm>> -> memref<48x1024xf32, #tpu.memory_space<hbm>>
    %dma_wait3A_44 = arith.constant 0 : i32
    %dma_wait3A_45 = tpu.memref_slice %arg4[%add3A_37, %dma_wait3A_44] : memref<6144x1024xf32, #tpu.memory_space<hbm>> -> memref<48x1024xf32, #tpu.memory_space<hbm>>
    tpu.wait_dma2 semaphore(%arg11 : memref<!tpu.dma_semaphore, #tpu.memory_space<semaphore_mem>>) src(%arg7 : memref<48x1024xf32, #tpu.memory_space<vmem>>) dst(%dma_wait3A_45 : memref<48x1024xf32, #tpu.memory_space<hbm>>)
    %dma_start3A_46 = arith.constant 144 : i32
    %dma_start3A_47 = tpu.memref_slice %arg5[%dma_start3A_46] : memref<192xi32, #tpu.memory_space<vmem>> -> memref<48xi32, #tpu.memory_space<vmem>>
    %dma_start3A_48 = arith.constant 0 : i32
    %dma_start3A_49 = arith.constant 0 : i32
    %dma_start3A_50 = tpu.memref_slice %arg2[%dma_start3A_48, %dma_start3A_49] : memref<2048x1024xf32, #tpu.memory_space<hbm>> -> memref<2048x1024xf32, #tpu.memory_space<hbm>>
    tpu.enqueue_indirect_dma source(%dma_start3A_50 : memref<2048x1024xf32, #tpu.memory_space<hbm>>) target(%arg7 : memref<48x1024xf32, #tpu.memory_space<vmem>>) offsets(%dma_start3A_47 : memref<48xi32, #tpu.memory_space<vmem>>) semaphore(%arg9 : memref<!tpu.dma_semaphore, #tpu.memory_space<semaphore_mem>>)
    %dma_wait3A_51 = arith.constant 96 : i32
    %dma_wait3A_52 = tpu.memref_slice %arg5[%dma_wait3A_51] : memref<192xi32, #tpu.memory_space<vmem>> -> memref<48xi32, #tpu.memory_space<vmem>>
    %dma_wait3A_53 = arith.constant 0 : i32
    %dma_wait3A_54 = arith.constant 0 : i32
    %dma_wait3A_55 = tpu.memref_slice %arg2[%dma_wait3A_53, %dma_wait3A_54] : memref<2048x1024xf32, #tpu.memory_space<hbm>> -> memref<2048x1024xf32, #tpu.memory_space<hbm>>
    tpu.wait_indirect_dma semaphore(%arg8 : memref<!tpu.dma_semaphore, #tpu.memory_space<semaphore_mem>>) src(%dma_wait3A_55 : memref<2048x1024xf32, #tpu.memory_space<hbm>>) dst(%arg6 : memref<48x1024xf32, #tpu.memory_space<vmem>>)
    %add3A_56 = arith.constant 96 : i32
    %add3A_57 = arith.addi %mul3A_2, %add3A_56 : i32
    %dma_start3A_58 = arith.constant 0 : i32
    %dma_start3A_59 = tpu.memref_slice %arg4[%add3A_57, %dma_start3A_58] : memref<6144x1024xf32, #tpu.memory_space<hbm>> -> memref<48x1024xf32, #tpu.memory_space<hbm>>
    %dma_start3A_60 = arith.constant 0 : i32
    %dma_start3A_61 = tpu.memref_slice %arg4[%add3A_57, %dma_start3A_60] : memref<6144x1024xf32, #tpu.memory_space<hbm>> -> memref<48x1024xf32, #tpu.memory_space<hbm>>
    tpu.enqueue_dma source(%arg6 : memref<48x1024xf32, #tpu.memory_space<vmem>>) target(%dma_start3A_61 : memref<48x1024xf32, #tpu.memory_space<hbm>>) target_semaphore(%arg10 : memref<!tpu.dma_semaphore, #tpu.memory_space<semaphore_mem>>)
    %dma_wait3A_62 = arith.constant 144 : i32
    %dma_wait3A_63 = tpu.memref_slice %arg5[%dma_wait3A_62] : memref<192xi32, #tpu.memory_space<vmem>> -> memref<48xi32, #tpu.memory_space<vmem>>
    %dma_wait3A_64 = arith.constant 0 : i32
    %dma_wait3A_65 = arith.constant 0 : i32
    %dma_wait3A_66 = tpu.memref_slice %arg2[%dma_wait3A_64, %dma_wait3A_65] : memref<2048x1024xf32, #tpu.memory_space<hbm>> -> memref<2048x1024xf32, #tpu.memory_space<hbm>>
    tpu.wait_indirect_dma semaphore(%arg9 : memref<!tpu.dma_semaphore, #tpu.memory_space<semaphore_mem>>) src(%dma_wait3A_66 : memref<2048x1024xf32, #tpu.memory_space<hbm>>) dst(%arg7 : memref<48x1024xf32, #tpu.memory_space<vmem>>)
    %add3A_67 = arith.constant 144 : i32
    %add3A_68 = arith.addi %mul3A_2, %add3A_67 : i32
    %dma_start3A_69 = arith.constant 0 : i32
    %dma_start3A_70 = tpu.memref_slice %arg4[%add3A_68, %dma_start3A_69] : memref<6144x1024xf32, #tpu.memory_space<hbm>> -> memref<48x1024xf32, #tpu.memory_space<hbm>>
    %dma_start3A_71 = arith.constant 0 : i32
    %dma_start3A_72 = tpu.memref_slice %arg4[%add3A_68, %dma_start3A_71] : memref<6144x1024xf32, #tpu.memory_space<hbm>> -> memref<48x1024xf32, #tpu.memory_space<hbm>>
    tpu.enqueue_dma source(%arg7 : memref<48x1024xf32, #tpu.memory_space<vmem>>) target(%dma_start3A_72 : memref<48x1024xf32, #tpu.memory_space<hbm>>) target_semaphore(%arg11 : memref<!tpu.dma_semaphore, #tpu.memory_space<semaphore_mem>>)
    %dma_wait3A_73 = arith.constant 0 : i32
    %dma_wait3A_74 = tpu.memref_slice %arg4[%add3A_57, %dma_wait3A_73] : memref<6144x1024xf32, #tpu.memory_space<hbm>> -> memref<48x1024xf32, #tpu.memory_space<hbm>>
    %dma_wait3A_75 = arith.constant 0 : i32
    %dma_wait3A_76 = tpu.memref_slice %arg4[%add3A_57, %dma_wait3A_75] : memref<6144x1024xf32, #tpu.memory_space<hbm>> -> memref<48x1024xf32, #tpu.memory_space<hbm>>
    tpu.wait_dma2 semaphore(%arg10 : memref<!tpu.dma_semaphore, #tpu.memory_space<semaphore_mem>>) src(%arg6 : memref<48x1024xf32, #tpu.memory_space<vmem>>) dst(%dma_wait3A_76 : memref<48x1024xf32, #tpu.memory_space<hbm>>)
    %dma_wait3A_77 = arith.constant 0 : i32
    %dma_wait3A_78 = tpu.memref_slice %arg4[%add3A_68, %dma_wait3A_77] : memref<6144x1024xf32, #tpu.memory_space<hbm>> -> memref<48x1024xf32, #tpu.memory_space<hbm>>
    %dma_wait3A_79 = arith.constant 0 : i32
    %dma_wait3A_80 = tpu.memref_slice %arg4[%add3A_68, %dma_wait3A_79] : memref<6144x1024xf32, #tpu.memory_space<hbm>> -> memref<48x1024xf32, #tpu.memory_space<hbm>>
    tpu.wait_dma2 semaphore(%arg11 : memref<!tpu.dma_semaphore, #tpu.memory_space<semaphore_mem>>) src(%arg7 : memref<48x1024xf32, #tpu.memory_space<vmem>>) dst(%dma_wait3A_80 : memref<48x1024xf32, #tpu.memory_space<hbm>>)
    return
  }
}

module attributes {stable_mosaic.version = 14 : i64} {
  func.func @_gate_body(%arg0: memref<2048x1024xf32, #tpu.memory_space<vmem>>, %arg1: memref<1024x128xf32, #tpu.memory_space<vmem>>, %arg2: memref<1x128xf32, #tpu.memory_space<vmem>>, %arg3: memref<2048x128xf32, #tpu.memory_space<vmem>>, %arg4: memref<2048x128xi32, #tpu.memory_space<vmem>>, %arg5: memref<2048x128xi32, #tpu.memory_space<vmem>>) attributes {dimension_semantics = [], scalar_prefetch = 0 : i64, scratch_operands = 0 : i64, tpu.core_type = #tpu.core_type<tc>} {
    %get3A = arith.constant 0 : index
    %get3A_0 = arith.constant 0 : index
    %get3A_1 = vector.load %arg0[%get3A, %get3A_0] : memref<2048x1024xf32, #tpu.memory_space<vmem>>, vector<2048x1024xf32>
    %get3A_2 = arith.constant 0 : index
    %get3A_3 = arith.constant 0 : index
    %get3A_4 = vector.load %arg1[%get3A_2, %get3A_3] : memref<1024x128xf32, #tpu.memory_space<vmem>>, vector<1024x128xf32>
    %dot_general3A = arith.constant dense<0.000000e+00> : vector<2048x128xf32>
    %dot_general3A_5 = tpu.matmul %get3A_1, %get3A_4, %dot_general3A {dimension_numbers = #tpu.dot_dimension_numbers<[1], [0], [0], [1], [0, 0, 1, 1], [], []>, transpose_lhs_hint = false} : vector<2048x1024xf32>, vector<1024x128xf32>, vector<2048x128xf32> -> vector<2048x128xf32>
    %get3A_6 = arith.constant 0 : index
    %get3A_7 = arith.constant 0 : index
    %get3A_8 = vector.load %arg2[%get3A_6, %get3A_7] : memref<1x128xf32, #tpu.memory_space<vmem>>, vector<1x128xf32>
    %add3A = vector.broadcast %get3A_8 : vector<1x128xf32> to vector<2048x128xf32>
    %add3A_9 = arith.addf %dot_general3A_5, %add3A : vector<2048x128xf32>
    %iota3A = tpu.iota {dimensions = array<i32: 1>} : vector<2048x128xi32>
    %reduce_max3A = arith.constant dense<0xFF800000> : vector<2048xf32>
    %reduce_max3A_10 = vector.multi_reduction <maximumf>, %add3A_9, %reduce_max3A [1] : vector<2048x128xf32> to vector<2048xf32>
    %broadcast_in_dim3A = vector.shape_cast %reduce_max3A_10 : vector<2048xf32> to vector<2048x1xf32>
    %eq3A = vector.broadcast %broadcast_in_dim3A : vector<2048x1xf32> to vector<2048x128xf32>
    %eq3A_11 = arith.cmpf oeq, %add3A_9, %eq3A : vector<2048x128xf32>
    %jit3A = arith.constant 128 : i32
    %broadcast_in_dim3A_12 = vector.broadcast %jit3A : i32 to vector<2048x128xi32>
    %select_n3A = arith.select %eq3A_11, %iota3A, %broadcast_in_dim3A_12 : vector<2048x128xi1>, vector<2048x128xi32>
    %reduce_min3A = arith.constant dense<2147483647> : vector<2048xi32>
    %reduce_min3A_13 = vector.multi_reduction <minsi>, %select_n3A, %reduce_min3A [1] : vector<2048x128xi32> to vector<2048xi32>
    %broadcast_in_dim3A_14 = vector.shape_cast %reduce_min3A_13 : vector<2048xi32> to vector<2048x1xi32>
    %eq3A_15 = vector.broadcast %broadcast_in_dim3A_14 : vector<2048x1xi32> to vector<2048x128xi32>
    %eq3A_16 = arith.cmpi eq, %iota3A, %eq3A_15 : vector<2048x128xi32>
    %jit3A_17 = arith.constant -3.000000e+38 : f32
    %broadcast_in_dim3A_18 = vector.broadcast %jit3A_17 : f32 to vector<2048x128xf32>
    %select_n3A_19 = arith.select %eq3A_16, %broadcast_in_dim3A_18, %add3A_9 : vector<2048x128xi1>, vector<2048x128xf32>
    %reduce_max3A_20 = arith.constant dense<0xFF800000> : vector<2048xf32>
    %reduce_max3A_21 = vector.multi_reduction <maximumf>, %select_n3A_19, %reduce_max3A_20 [1] : vector<2048x128xf32> to vector<2048xf32>
    %broadcast_in_dim3A_22 = vector.shape_cast %reduce_max3A_21 : vector<2048xf32> to vector<2048x1xf32>
    %eq3A_23 = vector.broadcast %broadcast_in_dim3A_22 : vector<2048x1xf32> to vector<2048x128xf32>
    %eq3A_24 = arith.cmpf oeq, %select_n3A_19, %eq3A_23 : vector<2048x128xf32>
    %jit3A_25 = arith.constant 128 : i32
    %broadcast_in_dim3A_26 = vector.broadcast %jit3A_25 : i32 to vector<2048x128xi32>
    %select_n3A_27 = arith.select %eq3A_24, %iota3A, %broadcast_in_dim3A_26 : vector<2048x128xi1>, vector<2048x128xi32>
    %reduce_min3A_28 = arith.constant dense<2147483647> : vector<2048xi32>
    %reduce_min3A_29 = vector.multi_reduction <minsi>, %select_n3A_27, %reduce_min3A_28 [1] : vector<2048x128xi32> to vector<2048xi32>
    %broadcast_in_dim3A_30 = vector.shape_cast %reduce_min3A_29 : vector<2048xi32> to vector<2048x1xi32>
    %sub3A = arith.subf %broadcast_in_dim3A_22, %broadcast_in_dim3A : vector<2048x1xf32>
    %exp3A = math.exp %sub3A : vector<2048x1xf32>
    %add3A_31 = arith.constant 1.000000e+00 : f32
    %add3A_32 = vector.broadcast %add3A_31 : f32 to vector<2048x1xf32>
    %add3A_33 = arith.addf %add3A_32, %exp3A : vector<2048x1xf32>
    %div3A = arith.constant 1.000000e+00 : f32
    %div3A_34 = vector.broadcast %div3A : f32 to vector<2048x1xf32>
    %div3A_35 = arith.divf %div3A_34, %add3A_33 : vector<2048x1xf32>
    %sub3A_36 = arith.constant 1.000000e+00 : f32
    %sub3A_37 = vector.broadcast %sub3A_36 : f32 to vector<2048x1xf32>
    %sub3A_38 = arith.subf %sub3A_37, %div3A_35 : vector<2048x1xf32>
    %eq3A_39 = vector.broadcast %broadcast_in_dim3A_14 : vector<2048x1xi32> to vector<2048x128xi32>
    %eq3A_40 = arith.cmpi eq, %iota3A, %eq3A_39 : vector<2048x128xi32>
    %jit3A_41 = arith.constant 0.000000e+00 : f32
    %broadcast_in_dim3A_42 = vector.shape_cast %div3A_35 : vector<2048x1xf32> to vector<2048x1xf32>
    %broadcast_in_dim3A_43 = vector.broadcast %broadcast_in_dim3A_42 : vector<2048x1xf32> to vector<2048x128xf32>
    %broadcast_in_dim3A_44 = vector.broadcast %jit3A_41 : f32 to vector<2048x128xf32>
    %select_n3A_45 = arith.select %eq3A_40, %broadcast_in_dim3A_43, %broadcast_in_dim3A_44 : vector<2048x128xi1>, vector<2048x128xf32>
    %eq3A_46 = vector.broadcast %broadcast_in_dim3A_30 : vector<2048x1xi32> to vector<2048x128xi32>
    %eq3A_47 = arith.cmpi eq, %iota3A, %eq3A_46 : vector<2048x128xi32>
    %jit3A_48 = arith.constant 0.000000e+00 : f32
    %broadcast_in_dim3A_49 = vector.shape_cast %sub3A_38 : vector<2048x1xf32> to vector<2048x1xf32>
    %broadcast_in_dim3A_50 = vector.broadcast %broadcast_in_dim3A_49 : vector<2048x1xf32> to vector<2048x128xf32>
    %broadcast_in_dim3A_51 = vector.broadcast %jit3A_48 : f32 to vector<2048x128xf32>
    %select_n3A_52 = arith.select %eq3A_47, %broadcast_in_dim3A_50, %broadcast_in_dim3A_51 : vector<2048x128xi1>, vector<2048x128xf32>
    %add3A_53 = arith.addf %select_n3A_45, %select_n3A_52 : vector<2048x128xf32>
    %swap3A = arith.constant 0 : index
    %swap3A_54 = arith.constant 0 : index
    %swap3A_55 = vector.load %arg3[%swap3A, %swap3A_54] : memref<2048x128xf32, #tpu.memory_space<vmem>>, vector<2048x128xf32>
    tpu.vector_store %arg3[%swap3A, %swap3A_54], %add3A_53 {strides = array<i32>} : memref<2048x128xf32, #tpu.memory_space<vmem>>, vector<2048x128xf32>,
    %broadcast_in_dim3A_56 = vector.shape_cast %broadcast_in_dim3A_14 : vector<2048x1xi32> to vector<2048x1xi32>
    %broadcast_in_dim3A_57 = vector.broadcast %broadcast_in_dim3A_56 : vector<2048x1xi32> to vector<2048x128xi32>
    %swap3A_58 = arith.constant 0 : index
    %swap3A_59 = arith.constant 0 : index
    %swap3A_60 = vector.load %arg4[%swap3A_58, %swap3A_59] : memref<2048x128xi32, #tpu.memory_space<vmem>>, vector<2048x128xi32>
    tpu.vector_store %arg4[%swap3A_58, %swap3A_59], %broadcast_in_dim3A_57 {strides = array<i32>} : memref<2048x128xi32, #tpu.memory_space<vmem>>, vector<2048x128xi32>,
    %broadcast_in_dim3A_61 = vector.shape_cast %broadcast_in_dim3A_30 : vector<2048x1xi32> to vector<2048x1xi32>
    %broadcast_in_dim3A_62 = vector.broadcast %broadcast_in_dim3A_61 : vector<2048x1xi32> to vector<2048x128xi32>
    %swap3A_63 = arith.constant 0 : index
    %swap3A_64 = arith.constant 0 : index
    %swap3A_65 = vector.load %arg5[%swap3A_63, %swap3A_64] : memref<2048x128xi32, #tpu.memory_space<vmem>>, vector<2048x128xi32>
    tpu.vector_store %arg5[%swap3A_63, %swap3A_64], %broadcast_in_dim3A_62 {strides = array<i32>} : memref<2048x128xi32, #tpu.memory_space<vmem>>, vector<2048x128xi32>,
    return
  }
}

module attributes {stable_mosaic.version = 14 : i64} {
  func.func @_ffn_body(%arg0: i32, %arg1: i32, %arg2: memref<24xi32, #tpu.memory_space<smem>>, %arg3: memref<24xi32, #tpu.memory_space<smem>>, %arg4: memref<2048xi32, #tpu.memory_space<smem>>, %arg5: memref<2048xi32, #tpu.memory_space<smem>>, %arg6: memref<6144x1024xf32, #tpu.memory_space<vmem>>, %arg7: memref<1x1024x512xf32, #tpu.memory_space<vmem>>, %arg8: memref<1x1x512xf32, #tpu.memory_space<vmem>>, %arg9: memref<1x512x1024xf32, #tpu.memory_space<vmem>>, %arg10: memref<1x1x1024xf32, #tpu.memory_space<vmem>>, %arg11: memref<256x1xf32, #tpu.memory_space<vmem>>, %arg12: memref<256x1024xf32, #tpu.memory_space<vmem>>, %arg13: memref<6144x1024xf32, #tpu.memory_space<vmem>>) attributes {dimension_semantics = [#tpu.dimension_semantics<arbitrary>, #tpu.dimension_semantics<arbitrary>], iteration_bounds = array<i64: 9, 24>, scalar_prefetch = 4 : i64, scratch_operands = 1 : i64, tpu.core_type = #tpu.core_type<tc>, window_params = [{pipeline_mode = #tpu.pipeline_mode<synchronous>, transform_indices = @transform_0, window_bounds = array<i64: 6144, 1024>}, {transform_indices = @transform_1, window_bounds = array<i64: 1, 1024, 512>}, {transform_indices = @transform_2, window_bounds = array<i64: 1, 1, 512>}, {transform_indices = @transform_3, window_bounds = array<i64: 1, 512, 1024>}, {transform_indices = @transform_4, window_bounds = array<i64: 1, 1, 1024>}, {transform_indices = @transform_5, window_bounds = array<i64: 256, 1>}, {transform_indices = @transform_6, window_bounds = array<i64: 256, 1024>}]} {
    %lt3A = arith.constant 8 : i32
    %lt3A_0 = arith.cmpi slt, %arg0, %lt3A : i32
    %get3A = arith.index_cast %arg1 : i32 to index
    %get3A_1 = memref.load %arg3[%get3A] : memref<24xi32, #tpu.memory_space<smem>>
    %eq3A = arith.constant 1 : i32
    %eq3A_2 = arith.cmpi eq, %get3A_1, %eq3A : i32
    %and3A = arith.andi %lt3A_0, %eq3A_2 : i1
    %convert_element_type3A = arith.extui %and3A : i1 to i32
    %cond3A = arith.constant 0 : i32
    %cond3A_3 = arith.cmpi ne, %convert_element_type3A, %cond3A : i32
    scf.if %cond3A_3 {
      %mul3A = arith.constant 256 : i32
      %mul3A_12 = arith.muli %arg1, %mul3A : i32
      %get3A_13 = arith.index_cast %mul3A_12 : i32 to index
      %get3A_14 = arith.constant 0 : index
      %get3A_15 = vector.load %arg6[%get3A_13, %get3A_14] : memref<6144x1024xf32, #tpu.memory_space<vmem>>, vector<256x1024xf32>
      %get3A_16 = arith.constant 0 : index
      %get3A_17 = arith.constant 0 : index
      %get3A_18 = arith.constant 0 : index
      %get3A_19 = vector.load %arg7[%get3A_16, %get3A_17, %get3A_18] : memref<1x1024x512xf32, #tpu.memory_space<vmem>>, vector<1x1024x512xf32>
      %get3A_20 = vector.shape_cast %get3A_19 : vector<1x1024x512xf32> to vector<1024x512xf32>
      %dot_general3A = arith.constant dense<0.000000e+00> : vector<256x512xf32>
      %dot_general3A_21 = tpu.matmul %get3A_15, %get3A_20, %dot_general3A {dimension_numbers = #tpu.dot_dimension_numbers<[1], [0], [0], [1], [0, 0, 1, 1], [], []>, transpose_lhs_hint = false} : vector<256x1024xf32>, vector<1024x512xf32>, vector<256x512xf32> -> vector<256x512xf32>
      %get3A_22 = arith.constant 0 : index
      %get3A_23 = arith.constant 0 : index
      %get3A_24 = arith.constant 0 : index
      %get3A_25 = vector.load %arg8[%get3A_22, %get3A_23, %get3A_24] : memref<1x1x512xf32, #tpu.memory_space<vmem>>, vector<1x1x512xf32>
      %get3A_26 = vector.shape_cast %get3A_25 : vector<1x1x512xf32> to vector<1x512xf32>
      %add3A = vector.broadcast %get3A_26 : vector<1x512xf32> to vector<256x512xf32>
      %add3A_27 = arith.addf %dot_general3A_21, %add3A : vector<256x512xf32>
      %mul3A_28 = arith.constant 5.000000e-01 : f32
      %mul3A_29 = vector.broadcast %mul3A_28 : f32 to vector<256x512xf32>
      %mul3A_30 = arith.mulf %mul3A_29, %add3A_27 : vector<256x512xf32>
      %mul3A_31 = arith.constant 0.707106769 : f32
      %mul3A_32 = vector.broadcast %mul3A_31 : f32 to vector<256x512xf32>
      %mul3A_33 = arith.mulf %add3A_27, %mul3A_32 : vector<256x512xf32>
      %erf3A = math.erf %mul3A_33 : vector<256x512xf32>
      %add3A_34 = arith.constant 1.000000e+00 : f32
      %add3A_35 = vector.broadcast %add3A_34 : f32 to vector<256x512xf32>
      %add3A_36 = arith.addf %add3A_35, %erf3A : vector<256x512xf32>
      %mul3A_37 = arith.mulf %mul3A_30, %add3A_36 : vector<256x512xf32>
      %get3A_38 = arith.constant 0 : index
      %get3A_39 = arith.constant 0 : index
      %get3A_40 = arith.constant 0 : index
      %get3A_41 = vector.load %arg9[%get3A_38, %get3A_39, %get3A_40] : memref<1x512x1024xf32, #tpu.memory_space<vmem>>, vector<1x512x1024xf32>
      %get3A_42 = vector.shape_cast %get3A_41 : vector<1x512x1024xf32> to vector<512x1024xf32>
      %dot_general3A_43 = arith.constant dense<0.000000e+00> : vector<256x1024xf32>
      %dot_general3A_44 = tpu.matmul %mul3A_37, %get3A_42, %dot_general3A_43 {dimension_numbers = #tpu.dot_dimension_numbers<[1], [0], [0], [1], [0, 0, 1, 1], [], []>, transpose_lhs_hint = false} : vector<256x512xf32>, vector<512x1024xf32>, vector<256x1024xf32> -> vector<256x1024xf32>
      %eq3A_45 = arith.constant 0 : i32
      %eq3A_46 = arith.cmpi eq, %arg0, %eq3A_45 : i32
      %convert_element_type3A_47 = arith.extui %eq3A_46 : i1 to i32
      %cond3A_48 = arith.constant 0 : i32
      %cond3A_49 = arith.cmpi ne, %convert_element_type3A_47, %cond3A_48 : i32
      scf.if %cond3A_49 {
        %swap3A = arith.index_cast %mul3A_12 : i32 to index
        %swap3A_59 = arith.constant 0 : index
        %swap3A_60 = vector.load %arg13[%swap3A, %swap3A_59] : memref<6144x1024xf32, #tpu.memory_space<vmem>>, vector<256x1024xf32>
        tpu.vector_store %arg13[%swap3A, %swap3A_59], %dot_general3A_44 {strides = array<i32>} : memref<6144x1024xf32, #tpu.memory_space<vmem>>, vector<256x1024xf32>,
      } else {
      }
      %gt3A = arith.constant 0 : i32
      %gt3A_50 = arith.cmpi sgt, %arg0, %gt3A : i32
      %convert_element_type3A_51 = arith.extui %gt3A_50 : i1 to i32
      %cond3A_52 = arith.constant 0 : i32
      %cond3A_53 = arith.cmpi ne, %convert_element_type3A_51, %cond3A_52 : i32
      scf.if %cond3A_53 {
        %get3A_59 = arith.index_cast %mul3A_12 : i32 to index
        %get3A_60 = arith.constant 0 : index
        %get3A_61 = vector.load %arg13[%get3A_59, %get3A_60] : memref<6144x1024xf32, #tpu.memory_space<vmem>>, vector<256x1024xf32>
        %add3A_62 = arith.addf %get3A_61, %dot_general3A_44 : vector<256x1024xf32>
        %swap3A = arith.index_cast %mul3A_12 : i32 to index
        %swap3A_63 = arith.constant 0 : index
        %swap3A_64 = vector.load %arg13[%swap3A, %swap3A_63] : memref<6144x1024xf32, #tpu.memory_space<vmem>>, vector<256x1024xf32>
        tpu.vector_store %arg13[%swap3A, %swap3A_63], %add3A_62 {strides = array<i32>} : memref<6144x1024xf32, #tpu.memory_space<vmem>>, vector<256x1024xf32>,
      } else {
      }
      %eq3A_54 = arith.constant 7 : i32
      %eq3A_55 = arith.cmpi eq, %arg0, %eq3A_54 : i32
      %convert_element_type3A_56 = arith.extui %eq3A_55 : i1 to i32
      %cond3A_57 = arith.constant 0 : i32
      %cond3A_58 = arith.cmpi ne, %convert_element_type3A_56, %cond3A_57 : i32
      scf.if %cond3A_58 {
        %get3A_59 = arith.index_cast %mul3A_12 : i32 to index
        %get3A_60 = arith.constant 0 : index
        %get3A_61 = vector.load %arg13[%get3A_59, %get3A_60] : memref<6144x1024xf32, #tpu.memory_space<vmem>>, vector<256x1024xf32>
        %get3A_62 = arith.constant 0 : index
        %get3A_63 = arith.constant 0 : index
        %get3A_64 = arith.constant 0 : index
        %get3A_65 = vector.load %arg10[%get3A_62, %get3A_63, %get3A_64] : memref<1x1x1024xf32, #tpu.memory_space<vmem>>, vector<1x1x1024xf32>
        %get3A_66 = vector.shape_cast %get3A_65 : vector<1x1x1024xf32> to vector<1x1024xf32>
        %add3A_67 = vector.broadcast %get3A_66 : vector<1x1024xf32> to vector<256x1024xf32>
        %add3A_68 = arith.addf %get3A_61, %add3A_67 : vector<256x1024xf32>
        %get3A_69 = arith.constant 0 : index
        %get3A_70 = arith.constant 0 : index
        %get3A_71 = vector.load %arg11[%get3A_69, %get3A_70] : memref<256x1xf32, #tpu.memory_space<vmem>>, vector<256x1xf32>
        %mul3A_72 = vector.broadcast %get3A_71 : vector<256x1xf32> to vector<256x1024xf32>
        %mul3A_73 = arith.mulf %add3A_68, %mul3A_72 : vector<256x1024xf32>
        %swap3A = arith.index_cast %mul3A_12 : i32 to index
        %swap3A_74 = arith.constant 0 : index
        %swap3A_75 = vector.load %arg13[%swap3A, %swap3A_74] : memref<6144x1024xf32, #tpu.memory_space<vmem>>, vector<256x1024xf32>
        tpu.vector_store %arg13[%swap3A, %swap3A_74], %mul3A_73 {strides = array<i32>} : memref<6144x1024xf32, #tpu.memory_space<vmem>>, vector<256x1024xf32>,
      } else {
      }
    } else {
    }
    %eq3A_4 = arith.constant 8 : i32
    %eq3A_5 = arith.cmpi eq, %arg0, %eq3A_4 : i32
    %lt3A_6 = arith.constant 8 : i32
    %lt3A_7 = arith.cmpi slt, %arg1, %lt3A_6 : i32
    %and3A_8 = arith.andi %eq3A_5, %lt3A_7 : i1
    %convert_element_type3A_9 = arith.extui %and3A_8 : i1 to i32
    %cond3A_10 = arith.constant 0 : i32
    %cond3A_11 = arith.cmpi ne, %convert_element_type3A_9, %cond3A_10 : i32
    scf.if %cond3A_11 {
      %scan3A = arith.constant 0 : i32
      %scan3A_12 = arith.constant 256 : i32
      %scan3A_13 = arith.addi %scan3A, %scan3A_12 : i32
      %scan3A_14 = arith.constant 1 : i32
      scf.for %scan3A_16 = %scan3A to %scan3A_13 step %scan3A_14  : i32 {
        %mul3A = arith.constant 256 : i32
        %mul3A_17 = arith.muli %arg1, %mul3A : i32
        %add3A = arith.addi %mul3A_17, %scan3A_16 : i32
        %get3A_18 = arith.index_cast %add3A : i32 to index
        %get3A_19 = memref.load %arg4[%get3A_18] : memref<2048xi32, #tpu.memory_space<smem>>
        %get3A_20 = arith.index_cast %get3A_19 : i32 to index
        %get3A_21 = arith.constant 0 : index
        %get3A_22 = vector.load %arg13[%get3A_20, %get3A_21] : memref<6144x1024xf32, #tpu.memory_space<vmem>>, vector<1x1024xf32>
        %get3A_23 = arith.index_cast %add3A : i32 to index
        %get3A_24 = memref.load %arg5[%get3A_23] : memref<2048xi32, #tpu.memory_space<smem>>
        %get3A_25 = arith.index_cast %get3A_24 : i32 to index
        %get3A_26 = arith.constant 0 : index
        %get3A_27 = vector.load %arg13[%get3A_25, %get3A_26] : memref<6144x1024xf32, #tpu.memory_space<vmem>>, vector<1x1024xf32>
        %add3A_28 = arith.addf %get3A_22, %get3A_27 : vector<1x1024xf32>
        %swap3A = arith.index_cast %scan3A_16 : i32 to index
        %swap3A_29 = arith.constant 0 : index
        %swap3A_30 = vector.load %arg12[%swap3A, %swap3A_29] : memref<256x1024xf32, #tpu.memory_space<vmem>>, vector<1x1024xf32>
        tpu.vector_store %arg12[%swap3A, %swap3A_29], %add3A_28 {strides = array<i32>} : memref<256x1024xf32, #tpu.memory_space<vmem>>, vector<1x1024xf32>,
      }
      %scan3A_15 = arith.constant 256 : i32
    } else {
    }
    return
  }
  func.func @transform_0(%arg0: i32, %arg1: i32, %arg2: memref<24xi32, #tpu.memory_space<smem>>, %arg3: memref<24xi32, #tpu.memory_space<smem>>, %arg4: memref<2048xi32, #tpu.memory_space<smem>>, %arg5: memref<2048xi32, #tpu.memory_space<smem>>) -> (i32, i32) {
    %c0_i32 = arith.constant 0 : i32
    %c0_i32_0 = arith.constant 0 : i32
    %c0_i32_1 = arith.constant 0 : i32
    return %c0_i32, %c0_i32_0 : i32, i32
  }
  func.func @transform_1(%arg0: i32, %arg1: i32, %arg2: memref<24xi32, #tpu.memory_space<smem>>, %arg3: memref<24xi32, #tpu.memory_space<smem>>, %arg4: memref<2048xi32, #tpu.memory_space<smem>>, %arg5: memref<2048xi32, #tpu.memory_space<smem>>) -> (i32, i32, i32) {
    %eq3A = arith.constant 8 : i32
    %eq3A_0 = arith.cmpi eq, %arg0, %eq3A : i32
    %get3A = arith.index_cast %arg1 : i32 to index
    %get3A_1 = memref.load %arg2[%get3A] : memref<24xi32, #tpu.memory_space<smem>>
    %jit3A = arith.constant 0 : i32
    %select_n3A = arith.select %eq3A_0, %jit3A, %get3A_1 : i32
    %min3A = arith.constant 7 : i32
    %min3A_2 = arith.minsi %arg0, %min3A : i32
    %c0_i32 = arith.constant 0 : i32
    %c0_i32_3 = arith.constant 0 : i32
    return %select_n3A, %c0_i32, %min3A_2 : i32, i32, i32
  }
  func.func @transform_2(%arg0: i32, %arg1: i32, %arg2: memref<24xi32, #tpu.memory_space<smem>>, %arg3: memref<24xi32, #tpu.memory_space<smem>>, %arg4: memref<2048xi32, #tpu.memory_space<smem>>, %arg5: memref<2048xi32, #tpu.memory_space<smem>>) -> (i32, i32, i32) {
    %eq3A = arith.constant 8 : i32
    %eq3A_0 = arith.cmpi eq, %arg0, %eq3A : i32
    %get3A = arith.index_cast %arg1 : i32 to index
    %get3A_1 = memref.load %arg2[%get3A] : memref<24xi32, #tpu.memory_space<smem>>
    %jit3A = arith.constant 0 : i32
    %select_n3A = arith.select %eq3A_0, %jit3A, %get3A_1 : i32
    %min3A = arith.constant 7 : i32
    %min3A_2 = arith.minsi %arg0, %min3A : i32
    %c0_i32 = arith.constant 0 : i32
    %c0_i32_3 = arith.constant 0 : i32
    return %select_n3A, %c0_i32, %min3A_2 : i32, i32, i32
  }
  func.func @transform_3(%arg0: i32, %arg1: i32, %arg2: memref<24xi32, #tpu.memory_space<smem>>, %arg3: memref<24xi32, #tpu.memory_space<smem>>, %arg4: memref<2048xi32, #tpu.memory_space<smem>>, %arg5: memref<2048xi32, #tpu.memory_space<smem>>) -> (i32, i32, i32) {
    %eq3A = arith.constant 8 : i32
    %eq3A_0 = arith.cmpi eq, %arg0, %eq3A : i32
    %get3A = arith.index_cast %arg1 : i32 to index
    %get3A_1 = memref.load %arg2[%get3A] : memref<24xi32, #tpu.memory_space<smem>>
    %jit3A = arith.constant 0 : i32
    %select_n3A = arith.select %eq3A_0, %jit3A, %get3A_1 : i32
    %min3A = arith.constant 7 : i32
    %min3A_2 = arith.minsi %arg0, %min3A : i32
    %c0_i32 = arith.constant 0 : i32
    %c0_i32_3 = arith.constant 0 : i32
    return %select_n3A, %min3A_2, %c0_i32 : i32, i32, i32
  }
  func.func @transform_4(%arg0: i32, %arg1: i32, %arg2: memref<24xi32, #tpu.memory_space<smem>>, %arg3: memref<24xi32, #tpu.memory_space<smem>>, %arg4: memref<2048xi32, #tpu.memory_space<smem>>, %arg5: memref<2048xi32, #tpu.memory_space<smem>>) -> (i32, i32, i32) {
    %eq3A = arith.constant 8 : i32
    %eq3A_0 = arith.cmpi eq, %arg0, %eq3A : i32
    %get3A = arith.index_cast %arg1 : i32 to index
    %get3A_1 = memref.load %arg2[%get3A] : memref<24xi32, #tpu.memory_space<smem>>
    %jit3A = arith.constant 0 : i32
    %select_n3A = arith.select %eq3A_0, %jit3A, %get3A_1 : i32
    %c0_i32 = arith.constant 0 : i32
    %c0_i32_2 = arith.constant 0 : i32
    %c0_i32_3 = arith.constant 0 : i32
    return %select_n3A, %c0_i32, %c0_i32_2 : i32, i32, i32
  }
  func.func @transform_5(%arg0: i32, %arg1: i32, %arg2: memref<24xi32, #tpu.memory_space<smem>>, %arg3: memref<24xi32, #tpu.memory_space<smem>>, %arg4: memref<2048xi32, #tpu.memory_space<smem>>, %arg5: memref<2048xi32, #tpu.memory_space<smem>>) -> (i32, i32) {
    %c0_i32 = arith.constant 0 : i32
    %c0_i32_0 = arith.constant 0 : i32
    return %arg1, %c0_i32 : i32, i32
  }
  func.func @transform_6(%arg0: i32, %arg1: i32, %arg2: memref<24xi32, #tpu.memory_space<smem>>, %arg3: memref<24xi32, #tpu.memory_space<smem>>, %arg4: memref<2048xi32, #tpu.memory_space<smem>>, %arg5: memref<2048xi32, #tpu.memory_space<smem>>) -> (i32, i32) {
    %eq3A = arith.constant 8 : i32
    %eq3A_0 = arith.cmpi eq, %arg0, %eq3A : i32
    %min3A = arith.constant 7 : i32
    %min3A_1 = arith.minsi %arg1, %min3A : i32
    %jit3A = arith.constant 0 : i32
    %select_n3A = arith.select %eq3A_0, %min3A_1, %jit3A : i32
    %c0_i32 = arith.constant 0 : i32
    %c0_i32_2 = arith.constant 0 : i32
    return %select_n3A, %c0_i32 : i32, i32
  }
}

</mosaic_0001>

<sc_bundles>
// kernel: gather_offload_async_start.1
scs
__scs_entry_jumppad:
0x0: {  	(pc) =	sbr.rel $0x88, $3  }
0x1: {  	(tag) =	ssettag $0x0;
	lr =	simm.s32 $0x1  }
0x2: {  	[smem:$0x3F9A] =	sst lr;
	_ =	strace $0xD0000000  }
0x3: {  	_ = 	snop  }
0x4: {  	_ = 	snop  }
0x5: {  	_ = 	snop  }
0x6: {  	_ = 	snop  }
0x7: {  	_ = 	snop  }
__scs_overlays_trampoline_lowered:
0x8: {  	[smem:$0x3FA9] =	sst s0  }
0x9: {  	[smem:$0x3FAA] =	sst s1  }
0xa: {  	[smem:$0x3FAB] =	sst s2  }
0xb: {  	[smem:$0x3FAC] =	sst s3  }
0xc: {  	[smem:$0x3FAD] =	sst s4  }
0xd: {  	[smem:$0x3FAE] =	sst s5  }
0xe: {  	[smem:$0x3FAF] =	sst s6  }
0xf: {  	[smem:$0x3FB0] =	sst s7  }
0x10: {  	[smem:$0x3FB1] =	sst s8  }
0x11: {  	[smem:$0x3FB2] =	sst s9;
	s0 =	simm.s32 @!p0 $0x0  }
0x12: {  	s1 =	sld [smem:$0x3F98];
	s0 =	simm.s32 @p0 $0x1  }
0x13: {  	[smem:$0x3FB3] =	sst s0;
	s0 =	simm.s32 @!p1 $0x0  }
0x14: {  	s2 =	sld [smem:$0x3F97];
	s0 =	simm.s32 @p1 $0x1  }
0x15: {  	[smem:$0x3FB4] =	sst s0;
	s0 =	simm.s32 @!p2 $0x0  }
0x16: {  	s3 =	sld [smem:$0x3FDB];
	s0 =	simm.s32 @p2 $0x1  }
0x17: {  	s4 =	simm.s32 $0x1BF5;
	[smem:$0x3FB6] =	sst s0  }
0x18: {  	s0 =	sld [smem:$0x3F99];
	_ =	swait.ge [sflag:s4], $0x0  }
0x19: {  	s7 =	sld [smem:$0x3F9A]  }
0x1a: {  	s8 =	sadd.s32 $0xFFFFE003, lr  }
0x1b: {  	s9 =	sadd.s32 $0xFFFFFEF7, lr;
	s5 =	simm.s32 $0xFFFFFFFF;
	p2 =	slt.u32 s8, $0xFFFFF086  }
0x1c: {  	p1 =	slt.u32 s9, $0xF7A;
	s5 =	simm.s32 @!p2 $0x0  }
0x1d: {  	s5 =	simm.s32 @p1 $0x1;
	p0 =	seq.s32 s7, s2  }
0x1e: {  	s7 =	smul.u32 @!p0 $0xF7A, s2;
	p2 =	seq.s32 @!p0 s5, $0x0  }
0x1f: {  	s9 =	smul.u32 $0xF7A, s1;
	s8 =	simm.s32 @!p0 $0x1BF5;
	p2 =	por !p2, p0  }
0x20: {  	[sflag:s8] =	ssyncset.s32 @!p0 $0xFFFFF086;
	s6 =	sadd.s32 @!p0 s3, s7;
	s7 =	simm.s32 @!p0 $0x108  }
0x21: {  	s3 =	sadd.s32 s3, s9;
	s6 =	sadd.s32 @!p0 $0x88, s6;
	s7 =	simm.s32 @p2 $0x1082  }
0x22: {  	[simem:s7], [sflag:s8] =	dma.local @!p0 [hbm:s6], $0xF7A  }
0x23: {  	s9 =	sor.u32 $0xD0000000, s2;
	s6 =	simm.s32 $0x108;
	_ =	swait.ge @!p0 [sflag:s8], $0x0  }
0x24: {  	s3 =	sadd.s32 $0x88, s3;
	s6 =	simm.s32 @!p1 $0x1082;
	[sflag:s4] =	ssyncset.s32 $0xFFFFF086  }
0x25: {  	[simem:s6], [sflag:s4] =	dma.local [hbm:s3], $0xF7A  }
0x26: {  	[smem:$0x3F9A] =	sst s1;
	(tag) =	ssettag s2;
	_ =	strace s9  }
0x27: {  	s1 =	sld [smem:$0x3FAA]  }
0x28: {  	s2 =	sld [smem:$0x3FAB]  }
0x29: {  	s4 =	sld [smem:$0x3FAD]  }
0x2a: {  	p0 =	seq.s32 s5, $0x0;
	s5 =	sld [smem:$0x3FAE]  }
0x2b: {  	s6 =	sld [smem:$0x3FAF]  }
0x2c: {  	s7 =	sld [smem:$0x3FB0]  }
0x2d: {  	s3 =	simm.s32 $0x108;
	s8 =	sld [smem:$0x3FB1]  }
0x2e: {  	s3 =	simm.s32 @!p0 $0x1082;
	s9 =	sld [smem:$0x3FB2]  }
0x2f: {  	lr =	sadd.s32 s0, s3;
	s0 =	sld [smem:$0x3FA9]  }
0x30: {  	s3 =	sld [smem:$0x3FAC]  }
0x31: {  	[smem:$0x3FB5] =	sst s10  }
0x32: {  	s10 =	sld [smem:$0x3FB3];
	_ =	sdelay $0x3  }
0x33: {  	p0 =	seq.s32 s10, $0x1;
	s10 =	sld [smem:$0x3FB5];
	_ =	sdelay $0x3  }
0x34: {  	[smem:$0x3FB5] =	sst s10  }
0x35: {  	s10 =	sld [smem:$0x3FB4];
	_ =	sdelay $0x3  }
0x36: {  	p1 =	seq.s32 s10, $0x1;
	s10 =	sld [smem:$0x3FB5];
	_ =	sdelay $0x3  }
0x37: {  	[smem:$0x3FB5] =	sst s10  }
0x38: {  	s10 =	sld [smem:$0x3FB6]  }
0x39: {  	_ = 	snop;
	(pc) =	sbr.ind lr, $3  }
0x3a: {  	_ = 	snop  }
0x3b: {  	_ = 	snop  }
0x3c: {  	p2 =	seq.s32 s10, $0x1;
	s10 =	sld [smem:$0x3FB5]  }
0x3d: {  	_ =	shalt  }
0x3e: {  	_ =	shalt  }
0x3f: {  	_ =	shalt  }
0x40: {  	_ =	shalt  }
0x41: {  	_ =	shalt  }
0x42: {  	_ =	shalt  }
0x43: {  	_ =	shalt  }
0x44: {  	_ =	shalt  }
0x45: {  	_ =	shalt  }
0x46: {  	_ =	shalt  }
0x47: {  	_ =	shalt  }
0x48: {  	_ =	shalt  }
0x49: {  	_ =	shalt  }
0x4a: {  	_ =	shalt  }
0x4b: {  	_ =	shalt  }
0x4c: {  	_ =	shalt  }
0x4d: {  	_ =	shalt  }
0x4e: {  	_ =	shalt  }
0x4f: {  	_ =	shalt  }
0x50: {  	_ =	shalt  }
0x51: {  	_ =	shalt  }
0x52: {  	_ =	shalt  }
0x53: {  	_ =	shalt  }
0x54: {  	_ =	shalt  }
0x55: {  	_ =	shalt  }
0x56: {  	_ =	shalt  }
0x57: {  	_ =	shalt  }
0x58: {  	_ =	shalt  }
0x59: {  	_ =	shalt  }
0x5a: {  	_ =	shalt  }
0x5b: {  	_ =	shalt  }
0x5c: {  	_ =	shalt  }
0x5d: {  	_ =	shalt  }
0x5e: {  	_ =	shalt  }
0x5f: {  	_ =	shalt  }
0x60: {  	_ =	shalt  }
0x61: {  	_ =	shalt  }
0x62: {  	_ =	shalt  }
0x63: {  	_ =	shalt  }
0x64: {  	_ =	shalt  }
0x65: {  	_ =	shalt  }
0x66: {  	_ =	shalt  }
0x67: {  	_ =	shalt  }
0x68: {  	_ =	shalt  }
0x69: {  	_ =	shalt  }
0x6a: {  	_ =	shalt  }
0x6b: {  	_ =	shalt  }
0x6c: {  	_ =	shalt  }
0x6d: {  	_ =	shalt  }
0x6e: {  	_ =	shalt  }
0x6f: {  	_ =	shalt  }
0x70: {  	_ =	shalt  }
0x71: {  	_ =	shalt  }
0x72: {  	_ =	shalt  }
0x73: {  	_ =	shalt  }
0x74: {  	_ =	shalt  }
0x75: {  	_ =	shalt  }
0x76: {  	_ =	shalt  }
0x77: {  	_ =	shalt  }
0x78: {  	_ =	shalt  }
0x79: {  	_ =	shalt  }
0x7a: {  	_ =	shalt  }
0x7b: {  	_ =	shalt  }
0x7c: {  	_ =	shalt  }
0x7d: {  	_ =	shalt  }
0x7e: {  	_ =	shalt  }
0x7f: {  	_ =	shalt  }
0x80: {  	_ =	shalt  }
0x81: {  	_ =	shalt  }
0x82: {  	_ =	shalt  }
0x83: {  	_ =	shalt  }
0x84: {  	_ =	shalt  }
0x85: {  	_ =	shalt  }
0x86: {  	_ =	shalt  }
0x87: {  	_ =	shalt  }
.Lfunc_end0:
.L_simem_size_0:
called_computation.1_lowered:
.L_overlay_start_0:
0x88: {  	s2 =	sld [smem:$0x3FD9]  }
0x89: {  	s3 =	sld [smem:$0x3FFE];
	_ =	sdelay $0x1  }
0x8a: {  	s1 =	srdreg.scid  }
0x8b: {  	s0 =	sand.u32 $0x1, s1  }
0x8c: {  	s14 =	sshll.u32 s0, $0xA;
	s2 =	sadd.s32 s3, s2  }
0x8d: {  	s2 =	sadd.s32 s2, s14  }
0x8e: {  	[smem:$0x3FC1] =	sst s2  }
0x8f: {  	_ = 	snop  }
0x90: {  	s2 =	sld [smem:$0x3FD0];
	_ =	sdelay $0x2  }
0x91: {  	s15 =	simm.s32 $0xB;
	s4 =	simm.s32 $0x10  }
0x92: {  	[smem:s4], [sflag:s15] =	dma.local [hbm:s2], $0x1  }
0x93: {  	_ =	swait.eq [sflag:s15], $0x1  }
0x94: {  	[sflag:s15] =	ssyncset.done $0x0  }
0x95: {  	[sflag:s15] =	ssyncadd.s32 $0xFFFFFFFF  }
0x96: {  	s16 =	sld [smem:$0x11];
	(tm) =	ssettm $0x1  }
0x97: {  	s17 =	sld [smem:$0x3FFB];
	_ =	sdelay $0x3  }
0x98: {  	_ =	strace s17  }
0x99: {  	s3 =	sld [smem:$0x3FFC];
	_ =	sdelay $0x3  }
0x9a: {  	_ =	strace s3  }
0x9b: {  	s3 =	sld [smem:$0x3FFD];
	_ =	sdelay $0x3  }
0x9c: {  	_ =	strace s3  }
0x9d: {  	_ =	strace $0x8FFFFFFF  }
0x9e: {  	s18 =	sld [smem:$0x3FDB];
	_ =	sdelay $0x1  }
0x9f: {  	s19 =	simm.s32 $_scs_section_size  }
0xa0: {  	s5 =	simm.s32 $_size__tile_overlayer_lowered;
	s6 =	simm.s32 $_tile_overlayer_lowered  }
0xa1: {  	s22 =	simm.s32 $0x1BFF;
	s21 =	sshll.u32 s6, $0x1;
	s3 =	sadd.s32 s19, s18  }
0xa2: {  	s7 =	simm.s32 $0x0;
	s20 =	sshll.u32 s5, $0x1;
	s5 =	sadd.s32 s21, s3  }
0xa3: {  	[timem:s7], [sflag:s22] =	dma.local [hbm:s5], s20  }
0xa4: {  	_ =	swait.ge [sflag:s22], s20  }
0xa5: {  	s4 =	ssub.s32 $0x0, s20;
	[sflag:s22] =	ssyncset.done $0x0  }
0xa6: {  	[sflag:s22] =	ssyncadd.s32 s4;
	_ =	sdelay $0x1  }
0xa7: {  	s23 =	simm.s32 $0x1B8B  }
0xa8: {  	_ =	swait.ge [sflag:s23], $0x1  }
0xa9: {  	[sflag:s23] =	ssyncset.done $0x0  }
0xaa: {  	s25 =	simm.s32 $0x1B8E;
	s24 =	sld [smem:$0x3FFE];
	[sflag:s23] =	ssyncadd.s32 $0xFFFFFFFF  }
0xab: {  	s26 =	simm.s32 $execute0_lowered;
	[smem:$0x3FD2] =	sst s25  }
0xac: {  	s5 =	sshll.u32 s26, $0x1;
	_ =	strace $0x80000046;
	[dreg:$0x1] =	wrdreg $0xFFFFFFFF  }
0xad: {  	s28 =	simm.s32 $_size_execute0_lowered;
	s3 =	sadd.s32 s3, s5;
	[dreg:$0x0] =	wrdreg $0x0  }
0xae: {  	s5 =	sshll.u32 s28, $0x1;
	[dreg:$0x2] =	wrdreg s3  }
0xaf: {  	[dreg:$0x3] =	wrdreg s5  }
0xb0: {  	[dreg:$0x4] =	wrdreg $0xC0  }
0xb1: {  	_ =	task [dreg:s7], $0x5FFFF  }
0xb2: {  	[dreg:$0x1] =	wrdreg $0xFFFFFFFF  }
0xb3: {  	[dreg:$0x0] =	wrdreg $0x60  }
0xb4: {  	[dreg:$0x2] =	wrdreg s24  }
0xb5: {  	[dreg:$0x3] =	wrdreg s16  }
0xb6: {  	[dreg:$0x4] =	wrdreg $0xA  }
0xb7: {  	_ =	task.clear_ibuf [dreg:s7], $0x5FFFF;
	_ =	strace $0x90000046  }
0xb8: {  	s29 =	simm.s32 $0xA;
	_ =	strace $0x80000048  }
0xb9: {  	_ =	swait.ge [sflag:s29], $0x1  }
0xba: {  	[sflag:s29] =	ssyncadd.s32 $0xFFFFFFFF  }
0xbb: {  	_ =	strace $0x90000048  }
0xbc: {  	_ =	sfence  }
0xbd: {  	s30 =	sld [smem:$0x0];
	_ =	sdelay $0x2  }
0xbe: {  	s31 =	sshll.u32 s1, $0xD;
	s1 =	sshrl.u32 s1, $0x2  }
0xbf: {  	s3 =	sand.u32 $0x4000, s31;
	s1 =	sadd.s32 s1, s30  }
0xc0: {  	s0 =	sor.u32 s3, s0;
	s1 =	sshll.u32 s1, $0x11  }
0xc1: {  	s0 =	sor.u32 s1, s0  }
0xc2: {  	s0 =	sadd.s32 $0x8F2B, s0  }
0xc3: {  	[sflag:s0] =	ssyncadd.remote.s32 $0x1  }
0xc4: {  	_ =	sfence.sel $0xFFFF  }
0xc5: {  	[dreg:$0x0] =	wrdreg $0xFFFFFFFF;
	(pc) =	sbr.abs _section_cstart, $3  }
0xc6: {  	[dreg:$0x1] =	wrdreg $0xFFFFFFFF  }
0xc7: {  	_ =	task.clear_ibuf [dreg:s7], $0x2FFFF;
	_ =	strace $0x9FFFFFFF  }
0xc8: {  	(tm) =	ssettm $0x7FFFFFFF  }
0xc9: {  	_ =	shalt  }
tec
execute0_lowered:
.L_overlay_start_1:
0x0: {  	(tag) =	ssettag $0x1  }
0x1: {  	s1 =	srdreg.scid;
	s5 =	rddreg [dreg:$0x0]  }
0x2: {  	s0 =	stileid.u32;
	s2 =	rddreg [dreg:$0x1];
	s6 =	simm.s32 $0x1  }
0x3: {  	s9 =	simm.s32 $0x1;
	s10 =	simm.s32 $0x3;
	s1 =	sshll.u32 s1, $0x6  }
0x4: {  	s13 =	simm.s32 $0x0;
	s3 =	sshll.u32 s0, $0x7;
	s4 =	sand.u32 $0x40, s1  }
0x5: {  	s12 =	simm.s32 $0x0;
	s1 =	rddreg [dreg:$0x2];
	s3 =	sor.u32 s3, s4  }
0x6: {  	_ =	strace $0x80000047;
	s4 =	sadd.s32 $0x2A00, s5;
	s8 =	ssub.s32 $0x1000, s3  }
.Ltmp0:
0x7: {  	s5 =	sadd.s32 $0x1E00, s5;
	s7 =	sand.u32 $0x7C0, s8;
	(pc) =	sbr.rel .LBB2_1-.Ltmp0, $4  }
0x8: {  	[sflag:s6] =	ssyncpa.u1 $0x0;
	s11 =	smov.u32 s3;
	p0 =	sne.s32 s7, $0x0  }
0x9: {  	s8 =	sshrl.u32 s8, $0xB;
	s7 =	simm.s32 $0x2;
	s9 =	simm.s32 @!p0 $0x0  }
0xa: {  	[sflag:s7] =	ssyncpa.u1 $0x0;
	p0 =	por $0x0, $0x0;
	s8 =	sadd.s32 s9, s8  }
0xb: {  	vm0 =	vmmov $0xffff;
	[sflag:s10] =	ssyncpa.u1 $0x0;
	s10 =	simm.s32 $0x0;
	s9 =	sadd.s32 $0x1, s8  }
.LBB2_4:
0xc: {  	v5 =	vshrl.u32 v1, $0xB;
	v6 =	vshll.u32 v1, $0x7  }
0xd: {  	vm1 =	veq.s32 v1, $0x80000000;
	v58 =	vand.u32 $0x7, v5;
	v59 =	vand.u32 $0x3FF80, v6  }
0xe: {  	v1 =	vsel vm1, $0xFFFFFFFF, v58;
	v5 =	vsel vm1, $0xFFFFFF80, v59  }
0xf: {  	v3 =	vor.u32 v4, v3;
	v60 =	vand.u32 $0xFFFFFC00, v5;
	v61 =	vand.u32 $0xFFFFFC00, v1  }
0x10: {  	v2 =	vor.u32 v2, v3;
	v63 =	vand.u32 $0x380, v5;
	v62 =	vadd.s32 v61, v60  }
0x11: {  	v1 =	vand.u32 $0x7F, v1;
	v3 =	vor.u32 v63, v62  }
0x12: {  	v1 =	vor.u32 v1, v3  }
0x13: {  	[tilespmem:s15], [sflag:$0x1] =	stream.indirect_vreg.gather [hbm4b:s4+s10], $0x1, v0, vm0, $0x4038;
	[tilespmem:$0x100] =	vst v63  }
0x14: {  	(ifvalue) =	ssetifvalue $0x7FFFFFFF  }
0x15: {  	[tilespmem:s16], [sflag:$0x1] =	stream.indirect_vreg.gather [hbm4b:s4+s10], $0x1, v2, vm0, $0x4038;
	[tilespmem:$0x100] =	vst v63  }
0x16: {  	s29 =	sadd.s32 $0x10, s16;
	(ifvalue) =	ssetifvalue $0x7FFFFFFF  }
0x17: {  	[tilespmem:s29], [sflag:$0x1] =	stream.indirect_vreg.gather [hbm4b:s4+s10], $0x1, v1, vm0, $0x4038;
	[tilespmem:$0x100] =	vst v63  }
0x18: {  	_ =	swait.ge [sflag:s6], $0x40  }
0x19: {  	s30 =	sshrl.u32 s13, $0x3;
	[sflag:s6] =	ssyncset.done $0x0  }
0x1a: {  	s31 =	sand.u32 $0x7, s13;
	s15 =	sadd.s32 s5, s30;
	[sflag:s6] =	ssyncadd.s32 $0xFFFFFFC0  }
0x1b: {  	[hbm4b:s15+s31] =	stream.linear.scatter [tilespmem:s14], [sflag:$0x3], $0x40, $0x38;
	[tilespmem:$0x100] =	vst v63  }
.LBB2_5:
0x1c: {  	s15 =	sadd.s32 $0x800, s11  }
0x1d: {  	p2 =	sgt.s32 s15, $0xFFF  }
0x1e: {  	s15 =	smov.u32 @p2 s3;
	p2 =	sne.s32 s12, s9  }
.Ltmp1:
0x1f: {  	p1 =	slt.u32 s12, $0x2;
	(pc) =	sbr.rel @!p2 .LBB2_6-.Ltmp1, $4  }
0x20: {  	s14 =	simm.s32 @!p1 $0x3  }
0x21: {  	s16 =	sadd.s32 $0x1, s12;
	_ =	swait.ge @!p1 [sflag:s14], $0x40  }
0x22: {  	s13 =	smov.u32 s11;
	p0 =	por !p0, !p0;
	[sflag:s14] =	ssyncset.done @!p1 $0x0  }
0x23: {  	s12 =	smov.u32 s16;
	s11 =	smov.u32 s15;
	[sflag:s14] =	ssyncadd.s32 @!p1 $0xFFFFFFC0  }
.LBB2_1:
0x24: {  	p1 =	sge.u32 s12, s8  }
0x25: {  	s14 =	sxor.u32 @!p1 $0xFFFFFFFF, s12  }
0x26: {  	s31 =	sadd.s32 $0xFFFFFFFF, s12;
	s15 =	sshrl.u32 @!p1 s11, $0x3;
	s14 =	sshll.u32 @!p1 s14, $0x6  }
0x27: {  	s16 =	sand.u32 @!p1 $0x7, s11;
	s15 =	sadd.s32 @!p1 s2, s15;
	s14 =	sand.u32 @!p1 $0x40, s14  }
0x28: {  	[tilespmem:s14], [sflag:$0x2] =	stream.linear.gather @!p1 [hbm4b:s15+s16], $0x40, $0x38;
	[tilespmem:$0x100] =	vst v63  }
0x29: {  	p1 =	sge.u32 s31, s8  }
.Ltmp2:
0x2a: {  	_ = 	snop;
	(pc) =	sbr.rel @p1 .LBB2_5-.Ltmp2, $1  }
0x2b: {  	_ =	sdelay $0x3  }
0x2c: {  	s14 =	simm.s32 $0x1  }
0x2d: {  	_ =	swait.ge [sflag:s7], $0x40;
	s14 =	simm.s32 @!p0 $0x0  }
0x2e: {  	[sflag:s7] =	ssyncset.done $0x0;
	s14 =	sshll.u32 s14, $0x6  }
0x2f: {  	[sflag:s7] =	ssyncadd.s32 $0xFFFFFFC0;
	(ifvalue) =	ssetifvalue $0x7FFFFFFF;
	v0 =	vld.msk [tilespmem:s14+$0x0 ss:$0x1], $0xffff;
	_ =	sdelay $0x4  }
0x30: {  	s15 =	sadd.s32 $0x10, s14;
	v2 =	vshrl.u32 v0, $0xB;
	v3 =	vshll.u32 v0, $0x7  }
0x31: {  	v1 =	vld.msk [tilespmem:s15+$0x0 ss:$0x1], $0xffff;
	vm1 =	veq.s32 v0, $0x80000000;
	v0 =	vand.u32 $0x7, v2;
	v2 =	vand.u32 $0x3FF80, v3  }
0x32: {  	v0 =	vsel vm1, $0xFFFFFFFF, v0;
	v2 =	vsel vm1, $0xFFFFFF80, v2  }
0x33: {  	v3 =	vand.u32 $0xFFFFFC00, v2;
	v4 =	vand.u32 $0xFFFFFC00, v0  }
0x34: {  	v2 =	vand.u32 $0x380, v2;
	v3 =	vadd.s32 v4, v3  }
0x35: {  	v0 =	vand.u32 $0x7F, v0;
	v2 =	vor.u32 v2, v3  }
0x36: {  	v5 =	vshll.u32 v1, $0x7;
	v4 =	vshrl.u32 v1, $0xB;
	v0 =	vor.u32 v0, v2  }
0x37: {  	s16 =	sshll.u32 s12, $0x6;
	vm1 =	veq.s32 v1, $0x80000000;
	v1 =	vand.u32 $0x7, v4;
	v4 =	vand.u32 $0x3FF80, v5  }
0x38: {  	s16 =	sand.u32 $0x40, s16;
	s18 =	sadd.s32 $0x10, s15;
	v3 =	vsel vm1, $0xFFFFFFFF, v1;
	v4 =	vsel vm1, $0xFFFFFF80, v4  }
0x39: {  	s17 =	simm.s32 $0x20;
	s15 =	sor.u32 $0x80, s14;
	s14 =	sor.u32 $0x80, s16;
	v1 =	vld.msk [tilespmem:s18+$0x0 ss:$0x1], $0xffff;
	v5 =	vand.u32 $0xFFFFFC00, v4;
	v6 =	vand.u32 $0xFFFFFC00, v3  }
0x3a: {  	s16 =	sadd.s32 $0x10, s15;
	s18 =	sadd.s32 $0x10, s18;
	(ifvalue) =	ssetifvalue $0x7FFFFFFF;
	v2 =	vand.u32 $0x7F, v3;
	v4 =	vand.u32 $0x380, v4;
	v3 =	vadd.s32 v6, v5  }
.LBB2_3:
0x3b: {  	[tilespmem:s15], [sflag:$0x1] =	stream.indirect_vreg.gather [hbm4b:s4+s10], $0x1, v0, vm0, $0x4038;
	[tilespmem:$0x100] =	vst v63  }
0x3c: {  	s17 =	sadd.s32 $0x10, s17  }
0x3d: {  	v3 =	vor.u32 v4, v3;
	p1 =	slt.u32 s17, $0x30  }
.Ltmp3:
0x3e: {  	v4 =	vshrl.u32 v1, $0xB;
	v5 =	vshll.u32 v1, $0x7;
	s15 =	smov.u32 s16;
	v0 =	vor.u32 v2, v3;
	v2 =	vmovc v1;
	v1 =	vld.msk [tilespmem:s18+$0x0 ss:$0x1], $0xffff;
	(pc) =	sbr.rel @p1 .LBB2_3-.Ltmp3, $4  }
0x3f: {  	v3 =	vand.u32 $0x3FF80, v5;
	vm1 =	veq.s32 v2, $0x80000000;
	v2 =	vand.u32 $0x7, v4  }
0x40: {  	v4 =	vsel vm1, $0xFFFFFFFF, v2;
	v5 =	vsel vm1, $0xFFFFFF80, v3  }
0x41: {  	v2 =	vand.u32 $0x7F, v4;
	v3 =	vand.u32 $0xFFFFFC00, v5;
	v4 =	vand.u32 $0xFFFFFC00, v4  }
0x42: {  	s16 =	sadd.s32 $0x10, s16;
	s18 =	sadd.s32 $0x10, s18;
	v3 =	vadd.s32 v4, v3;
	v4 =	vand.u32 $0x380, v5;
	(ifvalue) =	ssetifvalue $0x7FFFFFFF  }
.Ltmp4:
0x43: {  	_ = 	snop;
	(pc) =	sbr.rel .LBB2_4-.Ltmp4, $1  }
0x44: {  	_ =	sdelay $0x3  }
.LBB2_6:
0x45: {  	_ =	sfence.sel $0x180000  }
0x46: {  	s2 =	simm.s32 $0x2;
	[bflag:$0x0] =	sbarrier.arrive $0xFFFF  }
0x47: {  	s30 =	simm.s32 $0x3;
	[sflag:s2] =	ssyncpa.u1 $0x1  }
0x48: {  	s31 =	simm.s32 $0x1;
	[sflag:s30] =	ssyncpa.u1 $0x1  }
0x49: {  	[sflag:s31] =	ssyncpa.u1 $0x1  }
0x4a: {  	p0 =	sne.s32 s0, $0x0;
	_ =	strace $0x90000047  }
0x4b: {  	s0 =	sadd.s32 @!p0 $0x100000, s1;
	[bflag:$0x2] =	sbarrier.arrive $0xFFFF  }
0x4c: {  	[sflag:s0] =	ssyncadd.tile.s32 @!p0 $0x1;
	_ =	shalt  }
.Lfunc_end2:
_tile_overlayer_lowered:
.L_overlay_start_2:
0x4d: {  	(tag) =	ssettag $0x2  }
0x4e: {  	s0 =	rddreg [dreg:$0x0];
	s2 =	stileid.u32  }
0x4f: {  	s1 =	rddreg [dreg:$0x1];
	p0 =	sne.s32 s2, $0x0  }
0x50: {  	s3 =	rddreg [dreg:$0x2];
	[bflag:$0x3] =	sbarrier.arrive $0xFFFF;
	s2 =	simm.s32 @!p0 $0x1C01  }
0x51: {  	[timem:s3], [sflag:s2] =	dma.local @!p0 [hbm:s0], s1  }
0x52: {  	s0 =	simm.s32 @!p0 $0x1  }
0x53: {  	_ =	swait.ge @!p0 [sflag:s0], s1  }
0x54: {  	s1 =	ssub.s32 @!p0 $0x0, s1;
	[sflag:s0] =	ssyncset.done @!p0 $0x0  }
0x55: {  	[sflag:s0] =	ssyncadd.s32 @!p0 s1  }
0x56: {  	[bflag:$0x3] =	sbarrier.arrive $0xFFFF  }
0x57: {  	_ =	shalt  }

// kernel: gather_offload_async_start
scs
__scs_entry_jumppad:
0x0: {  	(pc) =	sbr.rel $0x88, $3  }
0x1: {  	(tag) =	ssettag $0x0;
	lr =	simm.s32 $0x1  }
0x2: {  	[smem:$0x3F9A] =	sst lr;
	_ =	strace $0xD0000000  }
0x3: {  	_ = 	snop  }
0x4: {  	_ = 	snop  }
0x5: {  	_ = 	snop  }
0x6: {  	_ = 	snop  }
0x7: {  	_ = 	snop  }
__scs_overlays_trampoline_lowered:
0x8: {  	[smem:$0x3FA9] =	sst s0  }
0x9: {  	[smem:$0x3FAA] =	sst s1  }
0xa: {  	[smem:$0x3FAB] =	sst s2  }
0xb: {  	[smem:$0x3FAC] =	sst s3  }
0xc: {  	[smem:$0x3FAD] =	sst s4  }
0xd: {  	[smem:$0x3FAE] =	sst s5  }
0xe: {  	[smem:$0x3FAF] =	sst s6  }
0xf: {  	[smem:$0x3FB0] =	sst s7  }
0x10: {  	[smem:$0x3FB1] =	sst s8  }
0x11: {  	[smem:$0x3FB2] =	sst s9;
	s0 =	simm.s32 @!p0 $0x0  }
0x12: {  	s1 =	sld [smem:$0x3F98];
	s0 =	simm.s32 @p0 $0x1  }
0x13: {  	[smem:$0x3FB3] =	sst s0;
	s0 =	simm.s32 @!p1 $0x0  }
0x14: {  	s2 =	sld [smem:$0x3F97];
	s0 =	simm.s32 @p1 $0x1  }
0x15: {  	[smem:$0x3FB4] =	sst s0;
	s0 =	simm.s32 @!p2 $0x0  }
0x16: {  	s3 =	sld [smem:$0x3FDB];
	s0 =	simm.s32 @p2 $0x1  }
0x17: {  	s4 =	simm.s32 $0x1BF5;
	[smem:$0x3FB6] =	sst s0  }
0x18: {  	s0 =	sld [smem:$0x3F99];
	_ =	swait.ge [sflag:s4], $0x0  }
0x19: {  	s7 =	sld [smem:$0x3F9A]  }
0x1a: {  	s8 =	sadd.s32 $0xFFFFE003, lr  }
0x1b: {  	s9 =	sadd.s32 $0xFFFFFEF7, lr;
	s5 =	simm.s32 $0xFFFFFFFF;
	p2 =	slt.u32 s8, $0xFFFFF086  }
0x1c: {  	p1 =	slt.u32 s9, $0xF7A;
	s5 =	simm.s32 @!p2 $0x0  }
0x1d: {  	s5 =	simm.s32 @p1 $0x1;
	p0 =	seq.s32 s7, s2  }
0x1e: {  	s7 =	smul.u32 @!p0 $0xF7A, s2;
	p2 =	seq.s32 @!p0 s5, $0x0  }
0x1f: {  	s9 =	smul.u32 $0xF7A, s1;
	s8 =	simm.s32 @!p0 $0x1BF5;
	p2 =	por !p2, p0  }
0x20: {  	[sflag:s8] =	ssyncset.s32 @!p0 $0xFFFFF086;
	s6 =	sadd.s32 @!p0 s3, s7;
	s7 =	simm.s32 @!p0 $0x108  }
0x21: {  	s3 =	sadd.s32 s3, s9;
	s6 =	sadd.s32 @!p0 $0x88, s6;
	s7 =	simm.s32 @p2 $0x1082  }
0x22: {  	[simem:s7], [sflag:s8] =	dma.local @!p0 [hbm:s6], $0xF7A  }
0x23: {  	s9 =	sor.u32 $0xD0000000, s2;
	s6 =	simm.s32 $0x108;
	_ =	swait.ge @!p0 [sflag:s8], $0x0  }
0x24: {  	s3 =	sadd.s32 $0x88, s3;
	s6 =	simm.s32 @!p1 $0x1082;
	[sflag:s4] =	ssyncset.s32 $0xFFFFF086  }
0x25: {  	[simem:s6], [sflag:s4] =	dma.local [hbm:s3], $0xF7A  }
0x26: {  	[smem:$0x3F9A] =	sst s1;
	(tag) =	ssettag s2;
	_ =	strace s9  }
0x27: {  	s1 =	sld [smem:$0x3FAA]  }
0x28: {  	s2 =	sld [smem:$0x3FAB]  }
0x29: {  	s4 =	sld [smem:$0x3FAD]  }
0x2a: {  	p0 =	seq.s32 s5, $0x0;
	s5 =	sld [smem:$0x3FAE]  }
0x2b: {  	s6 =	sld [smem:$0x3FAF]  }
0x2c: {  	s7 =	sld [smem:$0x3FB0]  }
0x2d: {  	s3 =	simm.s32 $0x108;
	s8 =	sld [smem:$0x3FB1]  }
0x2e: {  	s3 =	simm.s32 @!p0 $0x1082;
	s9 =	sld [smem:$0x3FB2]  }
0x2f: {  	lr =	sadd.s32 s0, s3;
	s0 =	sld [smem:$0x3FA9]  }
0x30: {  	s3 =	sld [smem:$0x3FAC]  }
0x31: {  	[smem:$0x3FB5] =	sst s10  }
0x32: {  	s10 =	sld [smem:$0x3FB3];
	_ =	sdelay $0x3  }
0x33: {  	p0 =	seq.s32 s10, $0x1;
	s10 =	sld [smem:$0x3FB5];
	_ =	sdelay $0x3  }
0x34: {  	[smem:$0x3FB5] =	sst s10  }
0x35: {  	s10 =	sld [smem:$0x3FB4];
	_ =	sdelay $0x3  }
0x36: {  	p1 =	seq.s32 s10, $0x1;
	s10 =	sld [smem:$0x3FB5];
	_ =	sdelay $0x3  }
0x37: {  	[smem:$0x3FB5] =	sst s10  }
0x38: {  	s10 =	sld [smem:$0x3FB6]  }
0x39: {  	_ = 	snop;
	(pc) =	sbr.ind lr, $3  }
0x3a: {  	_ = 	snop  }
0x3b: {  	_ = 	snop  }
0x3c: {  	p2 =	seq.s32 s10, $0x1;
	s10 =	sld [smem:$0x3FB5]  }
0x3d: {  	_ =	shalt  }
0x3e: {  	_ =	shalt  }
0x3f: {  	_ =	shalt  }
0x40: {  	_ =	shalt  }
0x41: {  	_ =	shalt  }
0x42: {  	_ =	shalt  }
0x43: {  	_ =	shalt  }
0x44: {  	_ =	shalt  }
0x45: {  	_ =	shalt  }
0x46: {  	_ =	shalt  }
0x47: {  	_ =	shalt  }
0x48: {  	_ =	shalt  }
0x49: {  	_ =	shalt  }
0x4a: {  	_ =	shalt  }
0x4b: {  	_ =	shalt  }
0x4c: {  	_ =	shalt  }
0x4d: {  	_ =	shalt  }
0x4e: {  	_ =	shalt  }
0x4f: {  	_ =	shalt  }
0x50: {  	_ =	shalt  }
0x51: {  	_ =	shalt  }
0x52: {  	_ =	shalt  }
0x53: {  	_ =	shalt  }
0x54: {  	_ =	shalt  }
0x55: {  	_ =	shalt  }
0x56: {  	_ =	shalt  }
0x57: {  	_ =	shalt  }
0x58: {  	_ =	shalt  }
0x59: {  	_ =	shalt  }
0x5a: {  	_ =	shalt  }
0x5b: {  	_ =	shalt  }
0x5c: {  	_ =	shalt  }
0x5d: {  	_ =	shalt  }
0x5e: {  	_ =	shalt  }
0x5f: {  	_ =	shalt  }
0x60: {  	_ =	shalt  }
0x61: {  	_ =	shalt  }
0x62: {  	_ =	shalt  }
0x63: {  	_ =	shalt  }
0x64: {  	_ =	shalt  }
0x65: {  	_ =	shalt  }
0x66: {  	_ =	shalt  }
0x67: {  	_ =	shalt  }
0x68: {  	_ =	shalt  }
0x69: {  	_ =	shalt  }
0x6a: {  	_ =	shalt  }
0x6b: {  	_ =	shalt  }
0x6c: {  	_ =	shalt  }
0x6d: {  	_ =	shalt  }
0x6e: {  	_ =	shalt  }
0x6f: {  	_ =	shalt  }
0x70: {  	_ =	shalt  }
0x71: {  	_ =	shalt  }
0x72: {  	_ =	shalt  }
0x73: {  	_ =	shalt  }
0x74: {  	_ =	shalt  }
0x75: {  	_ =	shalt  }
0x76: {  	_ =	shalt  }
0x77: {  	_ =	shalt  }
0x78: {  	_ =	shalt  }
0x79: {  	_ =	shalt  }
0x7a: {  	_ =	shalt  }
0x7b: {  	_ =	shalt  }
0x7c: {  	_ =	shalt  }
0x7d: {  	_ =	shalt  }
0x7e: {  	_ =	shalt  }
0x7f: {  	_ =	shalt  }
0x80: {  	_ =	shalt  }
0x81: {  	_ =	shalt  }
0x82: {  	_ =	shalt  }
0x83: {  	_ =	shalt  }
0x84: {  	_ =	shalt  }
0x85: {  	_ =	shalt  }
0x86: {  	_ =	shalt  }
0x87: {  	_ =	shalt  }
.Lfunc_end0:
.L_simem_size_0:
called_computation_lowered:
.L_overlay_start_0:
0x88: {  	s2 =	sld [smem:$0x3FD9]  }
0x89: {  	s3 =	sld [smem:$0x3FFE];
	_ =	sdelay $0x1  }
0x8a: {  	s1 =	srdreg.scid  }
0x8b: {  	s0 =	sand.u32 $0x1, s1  }
0x8c: {  	s17 =	sshll.u32 s0, $0xA;
	s2 =	sadd.s32 s3, s2  }
0x8d: {  	s2 =	sadd.s32 s2, s17  }
0x8e: {  	[smem:$0x3FC1] =	sst s2  }
0x8f: {  	_ = 	snop  }
0x90: {  	(tm) =	ssettm $0x1  }
0x91: {  	s18 =	sld [smem:$0x3FFB];
	_ =	sdelay $0x3  }
0x92: {  	_ =	strace s18  }
0x93: {  	s2 =	sld [smem:$0x3FFC];
	_ =	sdelay $0x3  }
0x94: {  	_ =	strace s2  }
0x95: {  	s2 =	sld [smem:$0x3FFD];
	_ =	sdelay $0x3  }
0x96: {  	_ =	strace s2  }
0x97: {  	_ =	strace $0x8FFFFFFF  }
0x98: {  	s19 =	sld [smem:$0x3FDB];
	_ =	sdelay $0x1  }
0x99: {  	s20 =	simm.s32 $_scs_section_size  }
0x9a: {  	s4 =	simm.s32 $_size__tile_overlayer_lowered;
	s5 =	simm.s32 $_tile_overlayer_lowered  }
0x9b: {  	s6 =	simm.s32 $0x1BFF;
	s21 =	sshll.u32 s5, $0x1;
	s3 =	sadd.s32 s20, s19  }
0x9c: {  	s22 =	simm.s32 $0x0;
	s4 =	sshll.u32 s4, $0x1;
	s5 =	sadd.s32 s21, s3  }
0x9d: {  	[timem:s22], [sflag:s6] =	dma.local [hbm:s5], s4  }
0x9e: {  	_ =	swait.ge [sflag:s6], s4  }
0x9f: {  	s4 =	ssub.s32 $0x0, s4;
	[sflag:s6] =	ssyncset.done $0x0  }
0xa0: {  	[sflag:s6] =	ssyncadd.s32 s4;
	_ =	sdelay $0x1  }
0xa1: {  	s23 =	simm.s32 $0x1B8B  }
0xa2: {  	_ =	swait.ge [sflag:s23], $0x1  }
0xa3: {  	[sflag:s23] =	ssyncset.done $0x0  }
0xa4: {  	[sflag:s23] =	ssyncadd.s32 $0xFFFFFFFF  }
0xa5: {  	s4 =	sld [smem:$0x0]  }
0xa6: {  	s5 =	sand.u32 $0xFFFFFFFE, s1  }
0xa7: {  	p0 =	sne.s32 s1, s5  }
0xa8: {  	s5 =	sshll.u32 @p0 s5, $0xE  }
0xa9: {  	s5 =	sadd.s32 @p0 $0x11B8D, s5;
	s6 =	sshll.u32 @p0 s4, $0x11  }
0xaa: {  	s5 =	sor.u32 @p0 s6, s5  }
0xab: {  	[sflag:s5] =	ssyncadd.remote.s32 @p0 $0x1;
	_ =	sdelay $0x1  }
0xac: {  	s5 =	simm.s32 @p0 $0x1B8D  }
0xad: {  	_ =	swait.eq @p0 [sflag:s5], $0x1  }
0xae: {  	[sflag:s5] =	ssyncadd.s32 @p0 $0xFFFFFFFF  }
0xaf: {  	s6 =	sshll.u32 @!p0 s1, $0xE  }
0xb0: {  	s6 =	sor.u32 @!p0 $0x4000, s6;
	s5 =	simm.s32 @!p0 $0x1B8D  }
0xb1: {  	s4 =	sshll.u32 @!p0 s4, $0x11;
	s6 =	sadd.s32 @!p0 $0x11B8D, s6;
	_ =	swait.eq @!p0 [sflag:s5], $0x1  }
0xb2: {  	s4 =	sor.u32 @!p0 s4, s6;
	[sflag:s5] =	ssyncadd.s32 @!p0 $0xFFFFFFFF  }
0xb3: {  	s25 =	simm.s32 $0x1B8E;
	s24 =	sld [smem:$0x3FFE];
	[sflag:s4] =	ssyncadd.remote.s32 @!p0 $0x1  }
0xb4: {  	s26 =	simm.s32 $execute0_lowered;
	[smem:$0x3FD2] =	sst s25  }
0xb5: {  	s5 =	sshll.u32 s26, $0x1;
	_ =	strace $0x80000049;
	[dreg:$0x1] =	wrdreg $0xFFFFFFFF  }
0xb6: {  	s28 =	simm.s32 $_size_execute0_lowered;
	s3 =	sadd.s32 s3, s5;
	[dreg:$0x0] =	wrdreg $0x0  }
0xb7: {  	s5 =	sshll.u32 s28, $0x1;
	[dreg:$0x2] =	wrdreg s3  }
0xb8: {  	[dreg:$0x3] =	wrdreg s5  }
0xb9: {  	[dreg:$0x4] =	wrdreg $0xC0  }
0xba: {  	_ =	task [dreg:s22], $0x5FFFF  }
0xbb: {  	[dreg:$0x1] =	wrdreg $0xFFFFFFFF  }
0xbc: {  	[dreg:$0x0] =	wrdreg $0x60  }
0xbd: {  	[dreg:$0x2] =	wrdreg s24  }
0xbe: {  	[dreg:$0x3] =	wrdreg $0x9  }
0xbf: {  	_ =	task.clear_ibuf [dreg:s22], $0x4FFFF;
	_ =	strace $0x90000049  }
0xc0: {  	s29 =	simm.s32 $0x9;
	_ =	strace $0x8000004B  }
0xc1: {  	_ =	swait.ge [sflag:s29], $0x1  }
0xc2: {  	[sflag:s29] =	ssyncadd.s32 $0xFFFFFFFF  }
0xc3: {  	_ =	strace $0x9000004B  }
0xc4: {  	_ =	sfence  }
0xc5: {  	s30 =	sld [smem:$0x0];
	_ =	sdelay $0x2  }
0xc6: {  	s31 =	sshll.u32 s1, $0xD;
	s1 =	sshrl.u32 s1, $0x2  }
0xc7: {  	s4 =	sand.u32 $0x4000, s31;
	s1 =	sadd.s32 s1, s30  }
0xc8: {  	s0 =	sor.u32 s4, s0;
	s1 =	sshll.u32 s1, $0x11  }
0xc9: {  	s0 =	sor.u32 s1, s0  }
0xca: {  	s0 =	sadd.s32 $0x8F2B, s0  }
0xcb: {  	[sflag:s0] =	ssyncadd.remote.s32 $0x1  }
0xcc: {  	_ =	sfence.sel $0xFFFF  }
0xcd: {  	[dreg:$0x0] =	wrdreg $0xFFFFFFFF;
	(pc) =	sbr.abs _section_cstart, $3  }
0xce: {  	[dreg:$0x1] =	wrdreg $0xFFFFFFFF  }
0xcf: {  	_ =	task.clear_ibuf [dreg:s22], $0x2FFFF;
	_ =	strace $0x9FFFFFFF  }
0xd0: {  	(tm) =	ssettm $0x7FFFFFFF  }
0xd1: {  	_ =	shalt  }
tec
execute0_lowered:
.L_overlay_start_1:
0x0: {  	(tag) =	ssettag $0x1  }
0x1: {  	s0 =	srdreg.scid;
	s5 =	rddreg [dreg:$0x0]  }
0x2: {  	s1 =	stileid.u32;
	s6 =	simm.s32 $0x1;
	s9 =	simm.s32 $0x1  }
0x3: {  	s10 =	simm.s32 $0x3;
	s13 =	simm.s32 $0x0;
	s2 =	sshll.u32 s0, $0x6  }
0x4: {  	s12 =	simm.s32 $0x0;
	s3 =	sshll.u32 s1, $0x7;
	s2 =	sand.u32 $0x40, s2  }
0x5: {  	s0 =	rddreg [dreg:$0x1];
	_ =	strace $0x8000004A;
	s2 =	sor.u32 s3, s2  }
0x6: {  	s4 =	sadd.s32 $0x800, s5;
	[sflag:s6] =	ssyncpa.u1 $0x0;
	s8 =	ssub.s32 $0x1000, s2  }
.Ltmp0:
0x7: {  	s3 =	sadd.s32 $0xA00, s5;
	s7 =	sand.u32 $0x7C0, s8;
	(pc) =	sbr.rel .LBB2_1-.Ltmp0, $4  }
0x8: {  	s5 =	sadd.s32 $0x2000, s5;
	s11 =	smov.u32 s2;
	p0 =	sne.s32 s7, $0x0  }
0x9: {  	s8 =	sshrl.u32 s8, $0xB;
	s7 =	simm.s32 $0x2;
	s9 =	simm.s32 @!p0 $0x0  }
0xa: {  	[sflag:s7] =	ssyncpa.u1 $0x0;
	p0 =	por $0x0, $0x0;
	s8 =	sadd.s32 s9, s8  }
0xb: {  	vm0 =	vmmov $0xffff;
	[sflag:s10] =	ssyncpa.u1 $0x0;
	s10 =	simm.s32 $0x0;
	s9 =	sadd.s32 $0x1, s8  }
.LBB2_4:
0xc: {  	v1 =	vsel vm1, $0xFFFFFFFF, v1;
	v2 =	vand.u32 $0x7, v2  }
0xd: {  	v2 =	vsel vm1, $0xFFFFFFFF, v2;
	v3 =	vshll.u32 v1, $0x3  }
0xe: {  	v4 =	vand.u32 $0xFFFF8000, v2;
	v3 =	vand.u32 $0xFFFFFC00, v3;
	v2 =	vshll.u32 v2, $0x7  }
0xf: {  	v3 =	vadd.s32 v3, v4;
	v2 =	vand.u32 $0x380, v2  }
0x10: {  	v1 =	vand.u32 $0x7F, v1;
	v2 =	vor.u32 v2, v3  }
0x11: {  	v1 =	vor.u32 v1, v2;
	_ =	sdelay $0x1  }
0x12: {  	(ifvalue) =	ssetifvalue $0x7FFFFFFF;
	s15 =	sadd.s32 $0x10, s15  }
0x13: {  	[tilespmem:s15], [sflag:$0x1] =	stream.indirect_vreg.gather [hbm4b:s3+s10], $0x1, v0, vm0, $0x4038;
	[tilespmem:$0x100] =	vst v63  }
0x14: {  	(ifvalue) =	ssetifvalue $0x7FFFFFFF;
	s15 =	sadd.s32 $0x10, s15  }
0x15: {  	[tilespmem:s15], [sflag:$0x1] =	stream.indirect_vreg.gather [hbm4b:s3+s10], $0x1, v1, vm0, $0x4038;
	[tilespmem:$0x100] =	vst v63  }
0x16: {  	_ =	swait.ge [sflag:s6], $0x40  }
0x17: {  	s30 =	sshrl.u32 s13, $0x3;
	[sflag:s6] =	ssyncset.done $0x0  }
0x18: {  	s31 =	sand.u32 $0x7, s13;
	s15 =	sadd.s32 s5, s30;
	[sflag:s6] =	ssyncadd.s32 $0xFFFFFFC0  }
0x19: {  	[hbm4b:s15+s31] =	stream.linear.scatter [tilespmem:s14], [sflag:$0x3], $0x40, $0x38;
	[tilespmem:$0x100] =	vst v63  }
.LBB2_5:
0x1a: {  	s15 =	sadd.s32 $0x800, s11  }
0x1b: {  	p2 =	sgt.s32 s15, $0xFFF  }
0x1c: {  	s15 =	smov.u32 @p2 s2;
	p2 =	sne.s32 s12, s9  }
.Ltmp1:
0x1d: {  	p1 =	slt.u32 s12, $0x2;
	(pc) =	sbr.rel @!p2 .LBB2_6-.Ltmp1, $4  }
0x1e: {  	s14 =	simm.s32 @!p1 $0x3  }
0x1f: {  	s16 =	sadd.s32 $0x1, s12;
	_ =	swait.ge @!p1 [sflag:s14], $0x40  }
0x20: {  	s13 =	smov.u32 s11;
	p0 =	por !p0, !p0;
	[sflag:s14] =	ssyncset.done @!p1 $0x0  }
0x21: {  	s12 =	smov.u32 s16;
	s11 =	smov.u32 s15;
	[sflag:s14] =	ssyncadd.s32 @!p1 $0xFFFFFFC0  }
.LBB2_1:
0x22: {  	p1 =	sge.u32 s12, s8  }
0x23: {  	s14 =	sxor.u32 @!p1 $0xFFFFFFFF, s12  }
0x24: {  	s31 =	sadd.s32 $0xFFFFFFFF, s12;
	s15 =	sshrl.u32 @!p1 s11, $0x3;
	s14 =	sshll.u32 @!p1 s14, $0x6  }
0x25: {  	s16 =	sand.u32 @!p1 $0x7, s11;
	s15 =	sadd.s32 @!p1 s4, s15;
	s14 =	sand.u32 @!p1 $0x40, s14  }
0x26: {  	[tilespmem:s14], [sflag:$0x2] =	stream.linear.gather @!p1 [hbm4b:s15+s16], $0x40, $0x38;
	[tilespmem:$0x100] =	vst v63  }
0x27: {  	p1 =	sge.u32 s31, s8  }
.Ltmp2:
0x28: {  	_ = 	snop;
	(pc) =	sbr.rel @p1 .LBB2_5-.Ltmp2, $1  }
0x29: {  	_ =	sdelay $0x3  }
0x2a: {  	s14 =	simm.s32 $0x1  }
0x2b: {  	_ =	swait.ge [sflag:s7], $0x40;
	s14 =	simm.s32 @!p0 $0x0  }
0x2c: {  	[sflag:s7] =	ssyncset.done $0x0;
	s14 =	sshll.u32 s14, $0x6  }
0x2d: {  	[sflag:s7] =	ssyncadd.s32 $0xFFFFFFC0;
	(ifvalue) =	ssetifvalue $0x7FFFFFFF;
	v0 =	vld.msk [tilespmem:s14+$0x0 ss:$0x1], $0xffff;
	_ =	sdelay $0x3  }
0x2e: {  	s15 =	sadd.s32 $0x10, s14  }
0x2f: {  	v2 =	vld.msk [tilespmem:s15+$0x0 ss:$0x1], $0xffff;
	vm1 =	veq.s32 v0, $0x80000000;
	v1 =	vand.u32 $0xFFF, v0;
	v0 =	vshrl.u32 v0, $0xC  }
0x30: {  	v1 =	vsel vm1, $0xFFFFFFFF, v1;
	v0 =	vand.u32 $0x7, v0  }
0x31: {  	v0 =	vsel vm1, $0xFFFFFFFF, v0;
	v3 =	vshll.u32 v1, $0x3  }
0x32: {  	v4 =	vand.u32 $0xFFFF8000, v0;
	v3 =	vand.u32 $0xFFFFFC00, v3;
	v0 =	vshll.u32 v0, $0x7  }
0x33: {  	v3 =	vadd.s32 v3, v4;
	v0 =	vand.u32 $0x380, v0  }
0x34: {  	v1 =	vand.u32 $0x7F, v1;
	vm1 =	veq.s32 v2, $0x80000000;
	v0 =	vor.u32 v0, v3  }
0x35: {  	v0 =	vor.u32 v1, v0;
	v1 =	vand.u32 $0xFFF, v2;
	v2 =	vshrl.u32 v2, $0xC  }
0x36: {  	s17 =	sadd.s32 $0x10, s15;
	v1 =	vsel vm1, $0xFFFFFFFF, v1;
	v2 =	vand.u32 $0x7, v2  }
0x37: {  	v3 =	vld.msk [tilespmem:s17+$0x0 ss:$0x1], $0xffff;
	v2 =	vsel vm1, $0xFFFFFFFF, v2;
	v63 =	vshll.u32 v1, $0x3  }
0x38: {  	v5 =	vand.u32 $0xFFFF8000, v2;
	v4 =	vand.u32 $0xFFFFFC00, v63;
	v2 =	vshll.u32 v2, $0x7  }
0x39: {  	s31 =	sshll.u32 s12, $0x6;
	s15 =	sor.u32 $0x80, s14;
	(ifvalue) =	ssetifvalue $0x7FFFFFFF;
	v4 =	vadd.s32 v4, v5;
	v2 =	vand.u32 $0x380, v2  }
0x3a: {  	[tilespmem:s15], [sflag:$0x1] =	stream.indirect_vreg.gather [hbm4b:s3+s10], $0x1, v0, vm0, $0x4038;
	v0 =	vand.u32 $0x7F, v1;
	v1 =	vor.u32 v2, v4;
	[tilespmem:$0x100] =	vst v63  }
0x3b: {  	s14 =	sand.u32 $0x40, s31;
	v0 =	vor.u32 v0, v1  }
0x3c: {  	s16 =	simm.s32 $0x20;
	s14 =	sor.u32 $0x80, s14;
	s17 =	sadd.s32 $0x10, s17;
	vm1 =	veq.s32 v3, $0x80000000;
	v2 =	vshrl.u32 v3, $0xC;
	v1 =	vand.u32 $0xFFF, v3  }
.LBB2_3:
0x3d: {  	v3 =	vld.msk [tilespmem:s17+$0x0 ss:$0x1], $0xffff;
	s16 =	sadd.s32 $0x10, s16;
	v1 =	vsel vm1, $0xFFFFFFFF, v1;
	v2 =	vand.u32 $0x7, v2  }
0x3e: {  	p1 =	slt.u32 s16, $0x30;
	v2 =	vsel vm1, $0xFFFFFFFF, v2;
	v4 =	vshll.u32 v1, $0x3  }
.Ltmp3:
0x3f: {  	s15 =	sadd.s32 $0x10, s15;
	v5 =	vand.u32 $0xFFFF8000, v2;
	v4 =	vand.u32 $0xFFFFFC00, v4;
	v2 =	vshll.u32 v2, $0x7;
	(ifvalue) =	ssetifvalue $0x7FFFFFFF;
	(pc) =	sbr.rel @p1 .LBB2_3-.Ltmp3, $4  }
0x40: {  	v4 =	vadd.s32 v4, v5;
	v2 =	vand.u32 $0x380, v2;
	[tilespmem:s15], [sflag:$0x1] =	stream.indirect_vreg.gather [hbm4b:s3+s10], $0x1, v0, vm0, $0x4038;
	[tilespmem:$0x100] =	vst v63  }
0x41: {  	v0 =	vand.u32 $0x7F, v1;
	v1 =	vor.u32 v2, v4  }
0x42: {  	v0 =	vor.u32 v0, v1  }
0x43: {  	s17 =	sadd.s32 $0x10, s17;
	vm1 =	veq.s32 v3, $0x80000000;
	v1 =	vand.u32 $0xFFF, v3;
	v2 =	vshrl.u32 v3, $0xC  }
.Ltmp4:
0x44: {  	_ = 	snop;
	(pc) =	sbr.rel .LBB2_4-.Ltmp4, $1  }
0x45: {  	_ =	sdelay $0x3  }
.LBB2_6:
0x46: {  	_ =	sfence.sel $0x180000  }
0x47: {  	s2 =	simm.s32 $0x2;
	[bflag:$0x0] =	sbarrier.arrive $0xFFFF  }
0x48: {  	s30 =	simm.s32 $0x3;
	[sflag:s2] =	ssyncpa.u1 $0x1  }
0x49: {  	s31 =	simm.s32 $0x1;
	[sflag:s30] =	ssyncpa.u1 $0x1  }
0x4a: {  	[sflag:s31] =	ssyncpa.u1 $0x1  }
0x4b: {  	p0 =	sne.s32 s1, $0x0;
	_ =	strace $0x9000004A  }
0x4c: {  	s0 =	sadd.s32 @!p0 $0x100000, s0;
	[bflag:$0x2] =	sbarrier.arrive $0xFFFF  }
0x4d: {  	[sflag:s0] =	ssyncadd.tile.s32 @!p0 $0x1;
	_ =	shalt  }
.Lfunc_end2:
_tile_overlayer_lowered:
.L_overlay_start_2:
0x4e: {  	(tag) =	ssettag $0x2  }
0x4f: {  	s0 =	rddreg [dreg:$0x0];
	s2 =	stileid.u32  }
0x50: {  	s1 =	rddreg [dreg:$0x1];
	p0 =	sne.s32 s2, $0x0  }
0x51: {  	s3 =	rddreg [dreg:$0x2];
	[bflag:$0x3] =	sbarrier.arrive $0xFFFF;
	s2 =	simm.s32 @!p0 $0x1C01  }
0x52: {  	[timem:s3], [sflag:s2] =	dma.local @!p0 [hbm:s0], s1  }
0x53: {  	s0 =	simm.s32 @!p0 $0x1  }
0x54: {  	_ =	swait.ge @!p0 [sflag:s0], s1  }
0x55: {  	s1 =	ssub.s32 @!p0 $0x0, s1;
	[sflag:s0] =	ssyncset.done @!p0 $0x0  }
0x56: {  	[sflag:s0] =	ssyncadd.s32 @!p0 s1  }
0x57: {  	[bflag:$0x3] =	sbarrier.arrive $0xFFFF  }
0x58: {  	_ =	shalt  }

// kernel: kernel.5.cloned.1.call-start
scs
__scs_entry_jumppad:
0x0: {  	(pc) =	sbr.rel $0x88, $3  }
0x1: {  	(tag) =	ssettag $0x0;
	lr =	simm.s32 $0x1  }
0x2: {  	[smem:$0x3F9A] =	sst lr;
	_ =	strace $0xD0000000  }
0x3: {  	_ = 	snop  }
0x4: {  	_ = 	snop  }
0x5: {  	_ = 	snop  }
0x6: {  	_ = 	snop  }
0x7: {  	_ = 	snop  }
__scs_overlays_trampoline_lowered:
0x8: {  	[smem:$0x3FA9] =	sst s0  }
0x9: {  	[smem:$0x3FAA] =	sst s1  }
0xa: {  	[smem:$0x3FAB] =	sst s2  }
0xb: {  	[smem:$0x3FAC] =	sst s3  }
0xc: {  	[smem:$0x3FAD] =	sst s4  }
0xd: {  	[smem:$0x3FAE] =	sst s5  }
0xe: {  	[smem:$0x3FAF] =	sst s6  }
0xf: {  	[smem:$0x3FB0] =	sst s7  }
0x10: {  	[smem:$0x3FB1] =	sst s8  }
0x11: {  	[smem:$0x3FB2] =	sst s9;
	s0 =	simm.s32 @!p0 $0x0  }
0x12: {  	s1 =	sld [smem:$0x3F98];
	s0 =	simm.s32 @p0 $0x1  }
0x13: {  	[smem:$0x3FB3] =	sst s0;
	s0 =	simm.s32 @!p1 $0x0  }
0x14: {  	s2 =	sld [smem:$0x3F97];
	s0 =	simm.s32 @p1 $0x1  }
0x15: {  	[smem:$0x3FB4] =	sst s0;
	s0 =	simm.s32 @!p2 $0x0  }
0x16: {  	s3 =	sld [smem:$0x3FDB];
	s0 =	simm.s32 @p2 $0x1  }
0x17: {  	s4 =	simm.s32 $0x1BF5;
	[smem:$0x3FB6] =	sst s0  }
0x18: {  	s0 =	sld [smem:$0x3F99];
	_ =	swait.ge [sflag:s4], $0x0  }
0x19: {  	s7 =	sld [smem:$0x3F9A]  }
0x1a: {  	s8 =	sadd.s32 $0xFFFFE003, lr  }
0x1b: {  	s9 =	sadd.s32 $0xFFFFFEF7, lr;
	s5 =	simm.s32 $0xFFFFFFFF;
	p2 =	slt.u32 s8, $0xFFFFF086  }
0x1c: {  	p1 =	slt.u32 s9, $0xF7A;
	s5 =	simm.s32 @!p2 $0x0  }
0x1d: {  	s5 =	simm.s32 @p1 $0x1;
	p0 =	seq.s32 s7, s2  }
0x1e: {  	s7 =	smul.u32 @!p0 $0xF7A, s2;
	p2 =	seq.s32 @!p0 s5, $0x0  }
0x1f: {  	s9 =	smul.u32 $0xF7A, s1;
	s8 =	simm.s32 @!p0 $0x1BF5;
	p2 =	por !p2, p0  }
0x20: {  	[sflag:s8] =	ssyncset.s32 @!p0 $0xFFFFF086;
	s6 =	sadd.s32 @!p0 s3, s7;
	s7 =	simm.s32 @!p0 $0x108  }
0x21: {  	s3 =	sadd.s32 s3, s9;
	s6 =	sadd.s32 @!p0 $0x88, s6;
	s7 =	simm.s32 @p2 $0x1082  }
0x22: {  	[simem:s7], [sflag:s8] =	dma.local @!p0 [hbm:s6], $0xF7A  }
0x23: {  	s9 =	sor.u32 $0xD0000000, s2;
	s6 =	simm.s32 $0x108;
	_ =	swait.ge @!p0 [sflag:s8], $0x0  }
0x24: {  	s3 =	sadd.s32 $0x88, s3;
	s6 =	simm.s32 @!p1 $0x1082;
	[sflag:s4] =	ssyncset.s32 $0xFFFFF086  }
0x25: {  	[simem:s6], [sflag:s4] =	dma.local [hbm:s3], $0xF7A  }
0x26: {  	[smem:$0x3F9A] =	sst s1;
	(tag) =	ssettag s2;
	_ =	strace s9  }
0x27: {  	s1 =	sld [smem:$0x3FAA]  }
0x28: {  	s2 =	sld [smem:$0x3FAB]  }
0x29: {  	s4 =	sld [smem:$0x3FAD]  }
0x2a: {  	p0 =	seq.s32 s5, $0x0;
	s5 =	sld [smem:$0x3FAE]  }
0x2b: {  	s6 =	sld [smem:$0x3FAF]  }
0x2c: {  	s7 =	sld [smem:$0x3FB0]  }
0x2d: {  	s3 =	simm.s32 $0x108;
	s8 =	sld [smem:$0x3FB1]  }
0x2e: {  	s3 =	simm.s32 @!p0 $0x1082;
	s9 =	sld [smem:$0x3FB2]  }
0x2f: {  	lr =	sadd.s32 s0, s3;
	s0 =	sld [smem:$0x3FA9]  }
0x30: {  	s3 =	sld [smem:$0x3FAC]  }
0x31: {  	[smem:$0x3FB5] =	sst s10  }
0x32: {  	s10 =	sld [smem:$0x3FB3];
	_ =	sdelay $0x3  }
0x33: {  	p0 =	seq.s32 s10, $0x1;
	s10 =	sld [smem:$0x3FB5];
	_ =	sdelay $0x3  }
0x34: {  	[smem:$0x3FB5] =	sst s10  }
0x35: {  	s10 =	sld [smem:$0x3FB4];
	_ =	sdelay $0x3  }
0x36: {  	p1 =	seq.s32 s10, $0x1;
	s10 =	sld [smem:$0x3FB5];
	_ =	sdelay $0x3  }
0x37: {  	[smem:$0x3FB5] =	sst s10  }
0x38: {  	s10 =	sld [smem:$0x3FB6]  }
0x39: {  	_ = 	snop;
	(pc) =	sbr.ind lr, $3  }
0x3a: {  	_ = 	snop  }
0x3b: {  	_ = 	snop  }
0x3c: {  	p2 =	seq.s32 s10, $0x1;
	s10 =	sld [smem:$0x3FB5]  }
0x3d: {  	_ =	shalt  }
0x3e: {  	_ =	shalt  }
0x3f: {  	_ =	shalt  }
0x40: {  	_ =	shalt  }
0x41: {  	_ =	shalt  }
0x42: {  	_ =	shalt  }
0x43: {  	_ =	shalt  }
0x44: {  	_ =	shalt  }
0x45: {  	_ =	shalt  }
0x46: {  	_ =	shalt  }
0x47: {  	_ =	shalt  }
0x48: {  	_ =	shalt  }
0x49: {  	_ =	shalt  }
0x4a: {  	_ =	shalt  }
0x4b: {  	_ =	shalt  }
0x4c: {  	_ =	shalt  }
0x4d: {  	_ =	shalt  }
0x4e: {  	_ =	shalt  }
0x4f: {  	_ =	shalt  }
0x50: {  	_ =	shalt  }
0x51: {  	_ =	shalt  }
0x52: {  	_ =	shalt  }
0x53: {  	_ =	shalt  }
0x54: {  	_ =	shalt  }
0x55: {  	_ =	shalt  }
0x56: {  	_ =	shalt  }
0x57: {  	_ =	shalt  }
0x58: {  	_ =	shalt  }
0x59: {  	_ =	shalt  }
0x5a: {  	_ =	shalt  }
0x5b: {  	_ =	shalt  }
0x5c: {  	_ =	shalt  }
0x5d: {  	_ =	shalt  }
0x5e: {  	_ =	shalt  }
0x5f: {  	_ =	shalt  }
0x60: {  	_ =	shalt  }
0x61: {  	_ =	shalt  }
0x62: {  	_ =	shalt  }
0x63: {  	_ =	shalt  }
0x64: {  	_ =	shalt  }
0x65: {  	_ =	shalt  }
0x66: {  	_ =	shalt  }
0x67: {  	_ =	shalt  }
0x68: {  	_ =	shalt  }
0x69: {  	_ =	shalt  }
0x6a: {  	_ =	shalt  }
0x6b: {  	_ =	shalt  }
0x6c: {  	_ =	shalt  }
0x6d: {  	_ =	shalt  }
0x6e: {  	_ =	shalt  }
0x6f: {  	_ =	shalt  }
0x70: {  	_ =	shalt  }
0x71: {  	_ =	shalt  }
0x72: {  	_ =	shalt  }
0x73: {  	_ =	shalt  }
0x74: {  	_ =	shalt  }
0x75: {  	_ =	shalt  }
0x76: {  	_ =	shalt  }
0x77: {  	_ =	shalt  }
0x78: {  	_ =	shalt  }
0x79: {  	_ =	shalt  }
0x7a: {  	_ =	shalt  }
0x7b: {  	_ =	shalt  }
0x7c: {  	_ =	shalt  }
0x7d: {  	_ =	shalt  }
0x7e: {  	_ =	shalt  }
0x7f: {  	_ =	shalt  }
0x80: {  	_ =	shalt  }
0x81: {  	_ =	shalt  }
0x82: {  	_ =	shalt  }
0x83: {  	_ =	shalt  }
0x84: {  	_ =	shalt  }
0x85: {  	_ =	shalt  }
0x86: {  	_ =	shalt  }
0x87: {  	_ =	shalt  }
.Lfunc_end0:
.L_simem_size_0:
called_computation.2_lowered:
.L_overlay_start_0:
0x88: {  	s2 =	sld [smem:$0x3FD9]  }
0x89: {  	s3 =	sld [smem:$0x3FFE];
	_ =	sdelay $0x1  }
0x8a: {  	s1 =	srdreg.scid  }
0x8b: {  	s0 =	sand.u32 $0x1, s1  }
0x8c: {  	s17 =	sshll.u32 s0, $0xA;
	s2 =	sadd.s32 s3, s2  }
0x8d: {  	s2 =	sadd.s32 s2, s17  }
0x8e: {  	[smem:$0x3FC1] =	sst s2  }
0x8f: {  	_ = 	snop  }
0x90: {  	s2 =	sld [smem:$0x3FC9];
	(tm) =	ssettm $0x1  }
0x91: {  	s18 =	sld [smem:$0x3FFB];
	_ =	sdelay $0x3  }
0x92: {  	_ =	strace s18  }
0x93: {  	s3 =	sld [smem:$0x3FFC];
	_ =	sdelay $0x3  }
0x94: {  	_ =	strace s3  }
0x95: {  	s3 =	sld [smem:$0x3FFD];
	_ =	sdelay $0x3  }
0x96: {  	_ =	strace s3  }
0x97: {  	_ =	strace $0x8FFFFFFF  }
0x98: {  	s19 =	sld [smem:$0x3FDB];
	_ =	sdelay $0x1  }
0x99: {  	s4 =	simm.s32 $_scs_section_size  }
0x9a: {  	s5 =	simm.s32 $_size__tile_overlayer_lowered;
	s6 =	simm.s32 $_tile_overlayer_lowered  }
0x9b: {  	s22 =	simm.s32 $0x1BFF;
	s21 =	sshll.u32 s6, $0x1;
	s3 =	sadd.s32 s4, s19  }
0x9c: {  	s7 =	simm.s32 $0x0;
	s20 =	sshll.u32 s5, $0x1;
	s5 =	sadd.s32 s21, s3  }
0x9d: {  	[timem:s7], [sflag:s22] =	dma.local [hbm:s5], s20  }
0x9e: {  	_ =	swait.ge [sflag:s22], s20  }
0x9f: {  	s4 =	ssub.s32 $0x0, s20;
	[sflag:s22] =	ssyncset.done $0x0  }
0xa0: {  	[sflag:s22] =	ssyncadd.s32 s4;
	_ =	sdelay $0x1  }
0xa1: {  	s23 =	simm.s32 $0x1B8B  }
0xa2: {  	_ =	swait.ge [sflag:s23], $0x1  }
0xa3: {  	[sflag:s23] =	ssyncset.done $0x0  }
0xa4: {  	s25 =	simm.s32 $0x1B8E;
	s24 =	sld [smem:$0x3FFE];
	[sflag:s23] =	ssyncadd.s32 $0xFFFFFFFF  }
0xa5: {  	s26 =	simm.s32 $execute0_lowered;
	[smem:$0x3FD2] =	sst s25  }
0xa6: {  	s5 =	sshll.u32 s26, $0x1;
	_ =	strace $0x8000004C;
	[dreg:$0x1] =	wrdreg $0xFFFFFFFF  }
0xa7: {  	s28 =	simm.s32 $_size_execute0_lowered;
	s3 =	sadd.s32 s3, s5;
	[dreg:$0x0] =	wrdreg $0x0  }
0xa8: {  	s5 =	sshll.u32 s28, $0x1;
	[dreg:$0x2] =	wrdreg s3  }
0xa9: {  	[dreg:$0x3] =	wrdreg s5  }
0xaa: {  	[dreg:$0x4] =	wrdreg $0xC0  }
0xab: {  	_ =	task [dreg:s7], $0x5FFFF  }
0xac: {  	[dreg:$0x1] =	wrdreg $0xFFFFFFFF  }
0xad: {  	[dreg:$0x0] =	wrdreg $0x60  }
0xae: {  	[dreg:$0x2] =	wrdreg s2  }
0xaf: {  	[dreg:$0x3] =	wrdreg s24  }
0xb0: {  	[dreg:$0x4] =	wrdreg $0x9  }
0xb1: {  	_ =	task.clear_ibuf [dreg:s7], $0x5FFFF;
	_ =	strace $0x9000004C  }
0xb2: {  	s29 =	simm.s32 $0x9;
	_ =	strace $0x8000004E  }
0xb3: {  	_ =	swait.ge [sflag:s29], $0x1  }
0xb4: {  	[sflag:s29] =	ssyncadd.s32 $0xFFFFFFFF  }
0xb5: {  	_ =	strace $0x9000004E  }
0xb6: {  	_ =	sfence  }
0xb7: {  	s30 =	sld [smem:$0x0];
	_ =	sdelay $0x2  }
0xb8: {  	s31 =	sshll.u32 s1, $0xD;
	s1 =	sshrl.u32 s1, $0x2  }
0xb9: {  	s3 =	sand.u32 $0x4000, s31;
	s1 =	sadd.s32 s1, s30  }
0xba: {  	s0 =	sor.u32 s3, s0;
	s1 =	sshll.u32 s1, $0x11  }
0xbb: {  	s0 =	sor.u32 s1, s0  }
0xbc: {  	s0 =	sadd.s32 $0x8F2B, s0  }
0xbd: {  	[sflag:s0] =	ssyncadd.remote.s32 $0x1  }
0xbe: {  	_ =	sfence.sel $0xFFFF  }
0xbf: {  	[dreg:$0x0] =	wrdreg $0xFFFFFFFF;
	(pc) =	sbr.abs _section_cstart, $3  }
0xc0: {  	[dreg:$0x1] =	wrdreg $0xFFFFFFFF  }
0xc1: {  	_ =	task.clear_ibuf [dreg:s7], $0x2FFFF;
	_ =	strace $0x9FFFFFFF  }
0xc2: {  	(tm) =	ssettm $0x7FFFFFFF  }
0xc3: {  	_ =	shalt  }
tec
execute0_lowered:
.L_overlay_start_1:
0x0: {  	(tag) =	ssettag $0x1  }
0x1: {  	s0 =	srdreg.scid  }
0x2: {  	s1 =	stileid.u32;
	s2 =	rddreg [dreg:$0x0]  }
0x3: {  	s4 =	rddreg [dreg:$0x1];
	s3 =	simm.s32 $0x0;
	s18 =	simm.s32 $0x900  }
0x4: {  	s19 =	simm.s32 $0x1100;
	s20 =	simm.s32 $0x1900;
	s21 =	simm.s32 $0x2100  }
0x5: {  	s22 =	simm.s32 $0x2900;
	s23 =	simm.s32 $0x3100;
	s24 =	simm.s32 $0x3900  }
0x6: {  	s25 =	simm.s32 $0x4100;
	s28 =	simm.s32 $0x5100;
	s29 =	simm.s32 $0x5900  }
0x7: {  	s30 =	simm.s32 $0x6100;
	s31 =	simm.s32 $0x6900;
	s12 =	simm.s32 $0x8900  }
0x8: {  	s11 =	simm.s32 $0xA100;
	s0 =	sand.u32 $0x1, s0;
	s1 =	sshll.u32 s1, $0x1  }
0x9: {  	s13 =	simm.s32 $0xA900;
	s14 =	simm.s32 $0xB100;
	s1 =	sor.u32 s0, s1  }
0xa: {  	s15 =	simm.s32 $0xB900;
	s16 =	simm.s32 $0xC100;
	s5 =	smul.u32 $0x18, s1  }
0xb: {  	[smem:$0x7FF] =	sst s3;
	s0 =	ssub.s32 $0x2, s0;
	s6 =	smul.u32 $0x6000, s1  }
0xc: {  	_ =	strace $0x8000004D;
	s1 =	smul.u32 $0x30000, s1;
	s7 =	sshrl.u32 s0, $0x1  }
0xd: {  	s0 =	ssub.s32 s0, s7;
	s7 =	sadd.s32 $0x300, s2;
	s5 =	sadd.s32 s5, s4  }
0xe: {  	s4 =	sadd.s32 $0x1E00, s4;
	s1 =	sshrl.u32 s1, $0x3;
	s5 =	sadd.s32 $0x200, s5  }
0xf: {  	s10 =	smax.u32 s0, $0x1;
	s6 =	sadd.s32 s4, s6;
	[dreg:$0x3] =	wrdreg s5  }
0x10: {  	s1 =	sadd.s32 s4, s1;
	[dreg:$0x7] =	wrdreg s6;
	s26 =	sadd.s32 $0x1800, s6  }
0x11: {  	v2 =	vlaneseq.u32;
	s4 =	sadd.s32 $0x3000, s1;
	s5 =	sadd.s32 $0x100, s2;
	[dreg:$0x4] =	wrdreg s26  }
0x12: {  	vm0 =	vmmov $0xffff;
	v1 =	vshrl.u32 v2, $0x3;
	s1 =	sadd.s32 $0x4800, s1;
	s6 =	sadd.s32 $0x200, s2;
	[dreg:$0x5] =	wrdreg s4  }
0x13: {  	v0 =	vand.u32 $0x7, v2;
	v2 =	vor.u32 $0x8, v2;
	v1 =	vmul.u32 $0x8, v1;
	[dreg:$0x6] =	wrdreg s1;
	s26 =	simm.s32 $0x4900;
	s1 =	simm.s32 $0x3  }
.LBB2_1:
0x14: {  	s17 =	rddreg [dreg:$0x3];
	s0 =	simm.s32 $0x5  }
0x15: {  	[tilespmem:s3], [sflag:$0x5] =	stream.linear.gather [hbm4b:s17+s3], $0xC0, $0x38;
	[tilespmem:$0x18100] =	vst v63  }
0x16: {  	_ =	swait.ge [sflag:s0], $0xC0  }
0x17: {  	[sflag:s0] =	ssyncset.done $0x0  }
0x18: {  	[sflag:s0] =	ssyncadd.s32 $0xFFFFFF40  }
0x19: {  	v3 =	vld [tilespmem:$0x0];
	_ =	sdelay $0x4  }
0x1a: {  	v4 =	vshll.u32 v3, $0x3  }
0x1b: {  	v3 =	vand.u32 $0x7, v3;
	v4 =	vand.u32 $0xFFFFFFC0, v4  }
0x1c: {  	v3 =	vor.u32 v3, v4  }
0x1d: {  	v4 =	vperm.xlane v3, v0;
	_ =	sdelay $0x1  }
0x1e: {  	v4 =	vadd.s32 v1, v4;
	_ =	sdelay $0x3  }
0x1f: {  	s4 =	simm.s32 $0x100  }
0x20: {  	[tilespmem:s4], [sflag:$0x1] =	stream.indirect_vreg.gather [hbm4b:s2+s3], $0x80, v4, vm0, $0xb8;
	[tilespmem:$0x18100] =	vst v63  }
0x21: {  	v3 =	vperm.xlane v3, v2  }
0x22: {  	[tilespmem:s18], [sflag:$0x1] =	stream.indirect_vreg.gather [hbm4b:s5+s3], $0x80, v4, vm0, $0xb8;
	[tilespmem:$0x18100] =	vst v63  }
0x23: {  	v3 =	vadd.s32 v1, v3  }
0x24: {  	[tilespmem:s19], [sflag:$0x1] =	stream.indirect_vreg.gather [hbm4b:s6+s3], $0x80, v4, vm0, $0xb8;
	[tilespmem:$0x18100] =	vst v63  }
0x25: {  	_ = 	snop  }
0x26: {  	[tilespmem:s20], [sflag:$0x1] =	stream.indirect_vreg.gather [hbm4b:s7+s3], $0x80, v4, vm0, $0xb8;
	[tilespmem:$0x18100] =	vst v63  }
0x27: {  	_ = 	snop  }
0x28: {  	[tilespmem:s21], [sflag:$0x1] =	stream.indirect_vreg.gather [hbm4b:s2+s3], $0x80, v3, vm0, $0xb8;
	[tilespmem:$0x18100] =	vst v63  }
0x29: {  	_ = 	snop  }
0x2a: {  	[tilespmem:s22], [sflag:$0x1] =	stream.indirect_vreg.gather [hbm4b:s5+s3], $0x80, v3, vm0, $0xb8;
	[tilespmem:$0x18100] =	vst v63  }
0x2b: {  	_ = 	snop  }
0x2c: {  	[tilespmem:s23], [sflag:$0x1] =	stream.indirect_vreg.gather [hbm4b:s6+s3], $0x80, v3, vm0, $0xb8;
	[tilespmem:$0x18100] =	vst v63  }
0x2d: {  	_ = 	snop  }
0x2e: {  	[tilespmem:s24], [sflag:$0x1] =	stream.indirect_vreg.gather [hbm4b:s7+s3], $0x80, v3, vm0, $0xb8;
	[tilespmem:$0x18100] =	vst v63  }
0x2f: {  	v3 =	vld [tilespmem:$0x10];
	_ =	sdelay $0x4  }
0x30: {  	v53 =	vshll.u32 v3, $0x3  }
0x31: {  	v3 =	vand.u32 $0x7, v3;
	v4 =	vand.u32 $0xFFFFFFC0, v53  }
0x32: {  	v3 =	vor.u32 v3, v4  }
0x33: {  	v4 =	vperm.xlane v3, v0;
	_ =	sdelay $0x1  }
0x34: {  	v4 =	vadd.s32 v1, v4;
	_ =	sdelay $0x4  }
0x35: {  	[tilespmem:s25], [sflag:$0x1] =	stream.indirect_vreg.gather [hbm4b:s2+s3], $0x80, v4, vm0, $0xb8;
	[tilespmem:$0x18100] =	vst v63  }
0x36: {  	v3 =	vperm.xlane v3, v2  }
0x37: {  	[tilespmem:s26], [sflag:$0x1] =	stream.indirect_vreg.gather [hbm4b:s5+s3], $0x80, v4, vm0, $0xb8;
	[tilespmem:$0x18100] =	vst v63  }
0x38: {  	v3 =	vadd.s32 v1, v3  }
0x39: {  	[tilespmem:s28], [sflag:$0x1] =	stream.indirect_vreg.gather [hbm4b:s6+s3], $0x80, v4, vm0, $0xb8;
	[tilespmem:$0x18100] =	vst v63  }
0x3a: {  	_ = 	snop  }
0x3b: {  	[tilespmem:s29], [sflag:$0x1] =	stream.indirect_vreg.gather [hbm4b:s7+s3], $0x80, v4, vm0, $0xb8;
	[tilespmem:$0x18100] =	vst v63  }
0x3c: {  	_ = 	snop  }
0x3d: {  	[tilespmem:s30], [sflag:$0x1] =	stream.indirect_vreg.gather [hbm4b:s2+s3], $0x80, v3, vm0, $0xb8;
	[tilespmem:$0x18100] =	vst v63  }
0x3e: {  	_ = 	snop  }
0x3f: {  	[tilespmem:s31], [sflag:$0x1] =	stream.indirect_vreg.gather [hbm4b:s5+s3], $0x80, v3, vm0, $0xb8;
	[tilespmem:$0x18100] =	vst v63  }
0x40: {  	s8 =	simm.s32 $0x7100  }
0x41: {  	[tilespmem:s8], [sflag:$0x1] =	stream.indirect_vreg.gather [hbm4b:s6+s3], $0x80, v3, vm0, $0xb8;
	[tilespmem:$0x18100] =	vst v63  }
0x42: {  	s9 =	simm.s32 $0x7900  }
0x43: {  	[tilespmem:s9], [sflag:$0x1] =	stream.indirect_vreg.gather [hbm4b:s7+s3], $0x80, v3, vm0, $0xb8;
	[tilespmem:$0x18100] =	vst v63  }
0x44: {  	v3 =	vld [tilespmem:$0x20];
	_ =	sdelay $0x4  }
0x45: {  	v54 =	vshll.u32 v3, $0x3  }
0x46: {  	v3 =	vand.u32 $0x7, v3;
	v4 =	vand.u32 $0xFFFFFFC0, v54  }
0x47: {  	v3 =	vor.u32 v3, v4  }
0x48: {  	v4 =	vperm.xlane v3, v0;
	_ =	sdelay $0x1  }
0x49: {  	v4 =	vadd.s32 v1, v4;
	_ =	sdelay $0x3  }
0x4a: {  	s4 =	simm.s32 $0x8100  }
0x4b: {  	[tilespmem:s4], [sflag:$0x1] =	stream.indirect_vreg.gather [hbm4b:s2+s3], $0x80, v4, vm0, $0xb8;
	[tilespmem:$0x18100] =	vst v63  }
0x4c: {  	v3 =	vperm.xlane v3, v2  }
0x4d: {  	[tilespmem:s12], [sflag:$0x1] =	stream.indirect_vreg.gather [hbm4b:s5+s3], $0x80, v4, vm0, $0xb8;
	[tilespmem:$0x18100] =	vst v63  }
0x4e: {  	s9 =	simm.s32 $0x9100;
	v3 =	vadd.s32 v1, v3  }
0x4f: {  	[tilespmem:s9], [sflag:$0x1] =	stream.indirect_vreg.gather [hbm4b:s6+s3], $0x80, v4, vm0, $0xb8;
	[tilespmem:$0x18100] =	vst v63  }
0x50: {  	s17 =	simm.s32 $0x9900  }
0x51: {  	[tilespmem:s17], [sflag:$0x1] =	stream.indirect_vreg.gather [hbm4b:s7+s3], $0x80, v4, vm0, $0xb8;
	[tilespmem:$0x18100] =	vst v63  }
0x52: {  	_ = 	snop  }
0x53: {  	[tilespmem:s11], [sflag:$0x1] =	stream.indirect_vreg.gather [hbm4b:s2+s3], $0x80, v3, vm0, $0xb8;
	[tilespmem:$0x18100] =	vst v63  }
0x54: {  	_ = 	snop  }
0x55: {  	[tilespmem:s13], [sflag:$0x1] =	stream.indirect_vreg.gather [hbm4b:s5+s3], $0x80, v3, vm0, $0xb8;
	[tilespmem:$0x18100] =	vst v63  }
0x56: {  	_ = 	snop  }
0x57: {  	[tilespmem:s14], [sflag:$0x1] =	stream.indirect_vreg.gather [hbm4b:s6+s3], $0x80, v3, vm0, $0xb8;
	[tilespmem:$0x18100] =	vst v63  }
0x58: {  	_ = 	snop  }
0x59: {  	[tilespmem:s15], [sflag:$0x1] =	stream.indirect_vreg.gather [hbm4b:s7+s3], $0x80, v3, vm0, $0xb8;
	[tilespmem:$0x18100] =	vst v63  }
0x5a: {  	v3 =	vld [tilespmem:$0x30];
	_ =	sdelay $0x4  }
0x5b: {  	v55 =	vshll.u32 v3, $0x3  }
0x5c: {  	v3 =	vand.u32 $0x7, v3;
	v4 =	vand.u32 $0xFFFFFFC0, v55  }
0x5d: {  	v3 =	vor.u32 v3, v4  }
0x5e: {  	v4 =	vperm.xlane v3, v0;
	_ =	sdelay $0x1  }
0x5f: {  	v4 =	vadd.s32 v1, v4;
	_ =	sdelay $0x4  }
0x60: {  	[tilespmem:s16], [sflag:$0x2] =	stream.indirect_vreg.gather [hbm4b:s2+s3], $0x80, v4, vm0, $0xb8;
	[tilespmem:$0x18100] =	vst v63  }
0x61: {  	s8 =	simm.s32 $0xC900;
	v3 =	vperm.xlane v3, v2  }
0x62: {  	[tilespmem:s8], [sflag:$0x2] =	stream.indirect_vreg.gather [hbm4b:s5+s3], $0x80, v4, vm0, $0xb8;
	[tilespmem:$0x18100] =	vst v63  }
0x63: {  	s17 =	simm.s32 $0xD100;
	v3 =	vadd.s32 v1, v3  }
0x64: {  	[tilespmem:s17], [sflag:$0x2] =	stream.indirect_vreg.gather [hbm4b:s6+s3], $0x80, v4, vm0, $0xb8;
	[tilespmem:$0x18100] =	vst v63  }
0x65: {  	s8 =	simm.s32 $0xD900  }
0x66: {  	[tilespmem:s8], [sflag:$0x2] =	stream.indirect_vreg.gather [hbm4b:s7+s3], $0x80, v4, vm0, $0xb8;
	[tilespmem:$0x18100] =	vst v63  }
0x67: {  	s17 =	simm.s32 $0xE100  }
0x68: {  	[tilespmem:s17], [sflag:$0x2] =	stream.indirect_vreg.gather [hbm4b:s2+s3], $0x80, v3, vm0, $0xb8;
	[tilespmem:$0x18100] =	vst v63  }
0x69: {  	s8 =	simm.s32 $0xE900  }
0x6a: {  	[tilespmem:s8], [sflag:$0x2] =	stream.indirect_vreg.gather [hbm4b:s5+s3], $0x80, v3, vm0, $0xb8;
	[tilespmem:$0x18100] =	vst v63  }
0x6b: {  	s17 =	simm.s32 $0xF100  }
0x6c: {  	[tilespmem:s17], [sflag:$0x2] =	stream.indirect_vreg.gather [hbm4b:s6+s3], $0x80, v3, vm0, $0xb8;
	[tilespmem:$0x18100] =	vst v63  }
0x6d: {  	s8 =	simm.s32 $0xF900  }
0x6e: {  	[tilespmem:s8], [sflag:$0x2] =	stream.indirect_vreg.gather [hbm4b:s7+s3], $0x80, v3, vm0, $0xb8;
	[tilespmem:$0x18100] =	vst v63  }
0x6f: {  	v3 =	vld [tilespmem:$0x40];
	_ =	sdelay $0x4  }
0x70: {  	v56 =	vshll.u32 v3, $0x3  }
0x71: {  	v3 =	vand.u32 $0x7, v3;
	v4 =	vand.u32 $0xFFFFFFC0, v56  }
0x72: {  	v3 =	vor.u32 v3, v4  }
0x73: {  	v4 =	vperm.xlane v3, v0;
	_ =	sdelay $0x1  }
0x74: {  	v4 =	vadd.s32 v1, v4;
	_ =	sdelay $0x3  }
0x75: {  	s17 =	simm.s32 $0x10100  }
0x76: {  	[tilespmem:s17], [sflag:$0x2] =	stream.indirect_vreg.gather [hbm4b:s2+s3], $0x80, v4, vm0, $0xb8;
	[tilespmem:$0x18100] =	vst v63  }
0x77: {  	s8 =	simm.s32 $0x10900;
	v3 =	vperm.xlane v3, v2  }
0x78: {  	[tilespmem:s8], [sflag:$0x2] =	stream.indirect_vreg.gather [hbm4b:s5+s3], $0x80, v4, vm0, $0xb8;
	[tilespmem:$0x18100] =	vst v63  }
0x79: {  	v3 =	vadd.s32 v1, v3;
	s17 =	simm.s32 $0x11100  }
0x7a: {  	[tilespmem:s17], [sflag:$0x2] =	stream.indirect_vreg.gather [hbm4b:s6+s3], $0x80, v4, vm0, $0xb8;
	[tilespmem:$0x18100] =	vst v63  }
0x7b: {  	s8 =	simm.s32 $0x11900  }
0x7c: {  	[tilespmem:s8], [sflag:$0x2] =	stream.indirect_vreg.gather [hbm4b:s7+s3], $0x80, v4, vm0, $0xb8;
	[tilespmem:$0x18100] =	vst v63  }
0x7d: {  	s17 =	simm.s32 $0x12100  }
0x7e: {  	[tilespmem:s17], [sflag:$0x2] =	stream.indirect_vreg.gather [hbm4b:s2+s3], $0x80, v3, vm0, $0xb8;
	[tilespmem:$0x18100] =	vst v63  }
0x7f: {  	s8 =	simm.s32 $0x12900  }
0x80: {  	[tilespmem:s8], [sflag:$0x2] =	stream.indirect_vreg.gather [hbm4b:s5+s3], $0x80, v3, vm0, $0xb8;
	[tilespmem:$0x18100] =	vst v63  }
0x81: {  	s17 =	simm.s32 $0x13100  }
0x82: {  	[tilespmem:s17], [sflag:$0x2] =	stream.indirect_vreg.gather [hbm4b:s6+s3], $0x80, v3, vm0, $0xb8;
	[tilespmem:$0x18100] =	vst v63  }
0x83: {  	s8 =	simm.s32 $0x13900  }
0x84: {  	[tilespmem:s8], [sflag:$0x2] =	stream.indirect_vreg.gather [hbm4b:s7+s3], $0x80, v3, vm0, $0xb8;
	[tilespmem:$0x18100] =	vst v63  }
0x85: {  	v3 =	vld [tilespmem:$0x50];
	_ =	sdelay $0x4  }
0x86: {  	v57 =	vshll.u32 v3, $0x3  }
0x87: {  	v3 =	vand.u32 $0x7, v3;
	v4 =	vand.u32 $0xFFFFFFC0, v57  }
0x88: {  	v3 =	vor.u32 v3, v4  }
0x89: {  	v4 =	vperm.xlane v3, v0;
	_ =	sdelay $0x1  }
0x8a: {  	v4 =	vadd.s32 v1, v4;
	_ =	sdelay $0x3  }
0x8b: {  	s17 =	simm.s32 $0x14100  }
0x8c: {  	[tilespmem:s17], [sflag:$0x2] =	stream.indirect_vreg.gather [hbm4b:s2+s3], $0x80, v4, vm0, $0xb8;
	[tilespmem:$0x18100] =	vst v63  }
0x8d: {  	s8 =	simm.s32 $0x14900;
	v3 =	vperm.xlane v3, v2  }
0x8e: {  	[tilespmem:s8], [sflag:$0x2] =	stream.indirect_vreg.gather [hbm4b:s5+s3], $0x80, v4, vm0, $0xb8;
	[tilespmem:$0x18100] =	vst v63  }
0x8f: {  	v3 =	vadd.s32 v1, v3;
	s17 =	simm.s32 $0x15100  }
0x90: {  	[tilespmem:s17], [sflag:$0x2] =	stream.indirect_vreg.gather [hbm4b:s6+s3], $0x80, v4, vm0, $0xb8;
	[tilespmem:$0x18100] =	vst v63  }
0x91: {  	s8 =	simm.s32 $0x15900  }
0x92: {  	[tilespmem:s8], [sflag:$0x2] =	stream.indirect_vreg.gather [hbm4b:s7+s3], $0x80, v4, vm0, $0xb8;
	[tilespmem:$0x18100] =	vst v63  }
0x93: {  	s17 =	simm.s32 $0x16100  }
0x94: {  	[tilespmem:s17], [sflag:$0x2] =	stream.indirect_vreg.gather [hbm4b:s2+s3], $0x80, v3, vm0, $0xb8;
	[tilespmem:$0x18100] =	vst v63  }
0x95: {  	s8 =	simm.s32 $0x16900  }
0x96: {  	[tilespmem:s8], [sflag:$0x2] =	stream.indirect_vreg.gather [hbm4b:s5+s3], $0x80, v3, vm0, $0xb8;
	[tilespmem:$0x18100] =	vst v63  }
0x97: {  	s17 =	simm.s32 $0x17100  }
0x98: {  	[tilespmem:s17], [sflag:$0x2] =	stream.indirect_vreg.gather [hbm4b:s6+s3], $0x80, v3, vm0, $0xb8;
	[tilespmem:$0x18100] =	vst v63  }
0x99: {  	s0 =	simm.s32 $0x1;
	s8 =	simm.s32 $0x17900  }
0x9a: {  	[tilespmem:s8], [sflag:$0x2] =	stream.indirect_vreg.gather [hbm4b:s7+s3], $0x80, v3, vm0, $0xb8;
	[tilespmem:$0x18100] =	vst v63  }
0x9b: {  	_ =	swait.ge [sflag:s0], $0xC000  }
0x9c: {  	[sflag:s0] =	ssyncset.done $0x0  }
0x9d: {  	s8 =	simm.s32 $0x100;
	s17 =	rddreg [dreg:$0x7];
	[sflag:s0] =	ssyncadd.s32 $0xFFFF4000  }
0x9e: {  	[hbm4b:s17+s3] =	stream.linear.scatter [tilespmem:s8], [sflag:$0x3], $0xC000, $0x38;
	[tilespmem:$0x18100] =	vst v63  }
0x9f: {  	_ =	swait.ge [sflag:s1], $0xC000  }
0xa0: {  	[sflag:s1] =	ssyncset.done $0x0  }
0xa1: {  	[sflag:s1] =	ssyncadd.s32 $0xFFFF4000  }
0xa2: {  	v3 =	vld [tilespmem:$0x60];
	_ =	sdelay $0x4  }
0xa3: {  	v58 =	vshll.u32 v3, $0x3  }
0xa4: {  	v3 =	vand.u32 $0x7, v3;
	v4 =	vand.u32 $0xFFFFFFC0, v58  }
0xa5: {  	v3 =	vor.u32 v3, v4  }
0xa6: {  	v4 =	vperm.xlane v3, v0;
	_ =	sdelay $0x1  }
0xa7: {  	v4 =	vadd.s32 v1, v4;
	_ =	sdelay $0x4  }
0xa8: {  	[tilespmem:s8], [sflag:$0x1] =	stream.indirect_vreg.gather [hbm4b:s2+s3], $0x80, v4, vm0, $0xb8;
	[tilespmem:$0x18100] =	vst v63  }
0xa9: {  	v3 =	vperm.xlane v3, v2  }
0xaa: {  	[tilespmem:s18], [sflag:$0x1] =	stream.indirect_vreg.gather [hbm4b:s5+s3], $0x80, v4, vm0, $0xb8;
	[tilespmem:$0x18100] =	vst v63  }
0xab: {  	v3 =	vadd.s32 v1, v3  }
0xac: {  	[tilespmem:s19], [sflag:$0x1] =	stream.indirect_vreg.gather [hbm4b:s6+s3], $0x80, v4, vm0, $0xb8;
	[tilespmem:$0x18100] =	vst v63  }
0xad: {  	_ = 	snop  }
0xae: {  	[tilespmem:s20], [sflag:$0x1] =	stream.indirect_vreg.gather [hbm4b:s7+s3], $0x80, v4, vm0, $0xb8;
	[tilespmem:$0x18100] =	vst v63  }
0xaf: {  	_ = 	snop  }
0xb0: {  	[tilespmem:s21], [sflag:$0x1] =	stream.indirect_vreg.gather [hbm4b:s2+s3], $0x80, v3, vm0, $0xb8;
	[tilespmem:$0x18100] =	vst v63  }
0xb1: {  	_ = 	snop  }
0xb2: {  	[tilespmem:s22], [sflag:$0x1] =	stream.indirect_vreg.gather [hbm4b:s5+s3], $0x80, v3, vm0, $0xb8;
	[tilespmem:$0x18100] =	vst v63  }
0xb3: {  	_ = 	snop  }
0xb4: {  	[tilespmem:s23], [sflag:$0x1] =	stream.indirect_vreg.gather [hbm4b:s6+s3], $0x80, v3, vm0, $0xb8;
	[tilespmem:$0x18100] =	vst v63  }
0xb5: {  	_ = 	snop  }
0xb6: {  	[tilespmem:s24], [sflag:$0x1] =	stream.indirect_vreg.gather [hbm4b:s7+s3], $0x80, v3, vm0, $0xb8;
	[tilespmem:$0x18100] =	vst v63  }
0xb7: {  	v3 =	vld [tilespmem:$0x70];
	_ =	sdelay $0x4  }
0xb8: {  	v59 =	vshll.u32 v3, $0x3  }
0xb9: {  	v3 =	vand.u32 $0x7, v3;
	v4 =	vand.u32 $0xFFFFFFC0, v59  }
0xba: {  	v3 =	vor.u32 v3, v4  }
0xbb: {  	v4 =	vperm.xlane v3, v0;
	_ =	sdelay $0x1  }
0xbc: {  	v4 =	vadd.s32 v1, v4;
	_ =	sdelay $0x4  }
0xbd: {  	[tilespmem:s25], [sflag:$0x1] =	stream.indirect_vreg.gather [hbm4b:s2+s3], $0x80, v4, vm0, $0xb8;
	[tilespmem:$0x18100] =	vst v63  }
0xbe: {  	v3 =	vperm.xlane v3, v2  }
0xbf: {  	[tilespmem:s26], [sflag:$0x1] =	stream.indirect_vreg.gather [hbm4b:s5+s3], $0x80, v4, vm0, $0xb8;
	[tilespmem:$0x18100] =	vst v63  }
0xc0: {  	v3 =	vadd.s32 v1, v3  }
0xc1: {  	[tilespmem:s28], [sflag:$0x1] =	stream.indirect_vreg.gather [hbm4b:s6+s3], $0x80, v4, vm0, $0xb8;
	[tilespmem:$0x18100] =	vst v63  }
0xc2: {  	_ = 	snop  }
0xc3: {  	[tilespmem:s29], [sflag:$0x1] =	stream.indirect_vreg.gather [hbm4b:s7+s3], $0x80, v4, vm0, $0xb8;
	[tilespmem:$0x18100] =	vst v63  }
0xc4: {  	_ = 	snop  }
0xc5: {  	[tilespmem:s30], [sflag:$0x1] =	stream.indirect_vreg.gather [hbm4b:s2+s3], $0x80, v3, vm0, $0xb8;
	[tilespmem:$0x18100] =	vst v63  }
0xc6: {  	_ = 	snop  }
0xc7: {  	[tilespmem:s31], [sflag:$0x1] =	stream.indirect_vreg.gather [hbm4b:s5+s3], $0x80, v3, vm0, $0xb8;
	[tilespmem:$0x18100] =	vst v63  }
0xc8: {  	s17 =	simm.s32 $0x7100  }
0xc9: {  	[tilespmem:s17], [sflag:$0x1] =	stream.indirect_vreg.gather [hbm4b:s6+s3], $0x80, v3, vm0, $0xb8;
	[tilespmem:$0x18100] =	vst v63  }
0xca: {  	s17 =	simm.s32 $0x7900  }
0xcb: {  	[tilespmem:s17], [sflag:$0x1] =	stream.indirect_vreg.gather [hbm4b:s7+s3], $0x80, v3, vm0, $0xb8;
	[tilespmem:$0x18100] =	vst v63  }
0xcc: {  	v3 =	vld [tilespmem:$0x80];
	_ =	sdelay $0x4  }
0xcd: {  	v60 =	vshll.u32 v3, $0x3  }
0xce: {  	v3 =	vand.u32 $0x7, v3;
	v4 =	vand.u32 $0xFFFFFFC0, v60  }
0xcf: {  	v3 =	vor.u32 v3, v4  }
0xd0: {  	v4 =	vperm.xlane v3, v0;
	_ =	sdelay $0x1  }
0xd1: {  	v4 =	vadd.s32 v1, v4;
	_ =	sdelay $0x4  }
0xd2: {  	[tilespmem:s4], [sflag:$0x1] =	stream.indirect_vreg.gather [hbm4b:s2+s3], $0x80, v4, vm0, $0xb8;
	[tilespmem:$0x18100] =	vst v63  }
0xd3: {  	v3 =	vperm.xlane v3, v2  }
0xd4: {  	[tilespmem:s12], [sflag:$0x1] =	stream.indirect_vreg.gather [hbm4b:s5+s3], $0x80, v4, vm0, $0xb8;
	[tilespmem:$0x18100] =	vst v63  }
0xd5: {  	v3 =	vadd.s32 v1, v3  }
0xd6: {  	[tilespmem:s9], [sflag:$0x1] =	stream.indirect_vreg.gather [hbm4b:s6+s3], $0x80, v4, vm0, $0xb8;
	[tilespmem:$0x18100] =	vst v63  }
0xd7: {  	s8 =	simm.s32 $0x9900  }
0xd8: {  	[tilespmem:s8], [sflag:$0x1] =	stream.indirect_vreg.gather [hbm4b:s7+s3], $0x80, v4, vm0, $0xb8;
	[tilespmem:$0x18100] =	vst v63  }
0xd9: {  	_ = 	snop  }
0xda: {  	[tilespmem:s11], [sflag:$0x1] =	stream.indirect_vreg.gather [hbm4b:s2+s3], $0x80, v3, vm0, $0xb8;
	[tilespmem:$0x18100] =	vst v63  }
0xdb: {  	_ = 	snop  }
0xdc: {  	[tilespmem:s13], [sflag:$0x1] =	stream.indirect_vreg.gather [hbm4b:s5+s3], $0x80, v3, vm0, $0xb8;
	[tilespmem:$0x18100] =	vst v63  }
0xdd: {  	_ = 	snop  }
0xde: {  	[tilespmem:s14], [sflag:$0x1] =	stream.indirect_vreg.gather [hbm4b:s6+s3], $0x80, v3, vm0, $0xb8;
	[tilespmem:$0x18100] =	vst v63  }
0xdf: {  	s4 =	simm.s32 $0x2  }
0xe0: {  	[tilespmem:s15], [sflag:$0x1] =	stream.indirect_vreg.gather [hbm4b:s7+s3], $0x80, v3, vm0, $0xb8;
	[tilespmem:$0x18100] =	vst v63  }
0xe1: {  	_ =	swait.ge [sflag:s4], $0xC000  }
0xe2: {  	[sflag:s4] =	ssyncset.done $0x0  }
0xe3: {  	s9 =	rddreg [dreg:$0x4];
	[sflag:s4] =	ssyncadd.s32 $0xFFFF4000  }
0xe4: {  	[hbm4b:s9+s3] =	stream.linear.scatter [tilespmem:s16], [sflag:$0x4], $0xC000, $0x38;
	[tilespmem:$0x18100] =	vst v63  }
0xe5: {  	s9 =	simm.s32 $0x4  }
0xe6: {  	_ =	swait.ge [sflag:s9], $0xC000  }
0xe7: {  	[sflag:s9] =	ssyncset.done $0x0  }
0xe8: {  	[sflag:s9] =	ssyncadd.s32 $0xFFFF4000  }
0xe9: {  	v3 =	vld [tilespmem:$0x90];
	_ =	sdelay $0x4  }
0xea: {  	v61 =	vshll.u32 v3, $0x3  }
0xeb: {  	v3 =	vand.u32 $0x7, v3;
	v4 =	vand.u32 $0xFFFFFFC0, v61  }
0xec: {  	v3 =	vor.u32 v3, v4  }
0xed: {  	v4 =	vperm.xlane v3, v0;
	_ =	sdelay $0x1  }
0xee: {  	v4 =	vadd.s32 v1, v4;
	_ =	sdelay $0x4  }
0xef: {  	[tilespmem:s16], [sflag:$0x2] =	stream.indirect_vreg.gather [hbm4b:s2+s3], $0x80, v4, vm0, $0xb8;
	[tilespmem:$0x18100] =	vst v63  }
0xf0: {  	s17 =	simm.s32 $0xC900;
	v3 =	vperm.xlane v3, v2  }
0xf1: {  	[tilespmem:s17], [sflag:$0x2] =	stream.indirect_vreg.gather [hbm4b:s5+s3], $0x80, v4, vm0, $0xb8;
	[tilespmem:$0x18100] =	vst v63  }
0xf2: {  	v3 =	vadd.s32 v1, v3;
	s17 =	simm.s32 $0xD100  }
0xf3: {  	[tilespmem:s17], [sflag:$0x2] =	stream.indirect_vreg.gather [hbm4b:s6+s3], $0x80, v4, vm0, $0xb8;
	[tilespmem:$0x18100] =	vst v63  }
0xf4: {  	s17 =	simm.s32 $0xD900  }
0xf5: {  	[tilespmem:s17], [sflag:$0x2] =	stream.indirect_vreg.gather [hbm4b:s7+s3], $0x80, v4, vm0, $0xb8;
	[tilespmem:$0x18100] =	vst v63  }
0xf6: {  	s17 =	simm.s32 $0xE100  }
0xf7: {  	[tilespmem:s17], [sflag:$0x2] =	stream.indirect_vreg.gather [hbm4b:s2+s3], $0x80, v3, vm0, $0xb8;
	[tilespmem:$0x18100] =	vst v63  }
0xf8: {  	s17 =	simm.s32 $0xE900  }
0xf9: {  	[tilespmem:s17], [sflag:$0x2] =	stream.indirect_vreg.gather [hbm4b:s5+s3], $0x80, v3, vm0, $0xb8;
	[tilespmem:$0x18100] =	vst v63  }
0xfa: {  	s17 =	simm.s32 $0xF100  }
0xfb: {  	[tilespmem:s17], [sflag:$0x2] =	stream.indirect_vreg.gather [hbm4b:s6+s3], $0x80, v3, vm0, $0xb8;
	[tilespmem:$0x18100] =	vst v63  }
0xfc: {  	s17 =	simm.s32 $0xF900  }
0xfd: {  	[tilespmem:s17], [sflag:$0x2] =	stream.indirect_vreg.gather [hbm4b:s7+s3], $0x80, v3, vm0, $0xb8;
	[tilespmem:$0x18100] =	vst v63  }
0xfe: {  	v3 =	vld [tilespmem:$0xA0];
	_ =	sdelay $0x4  }
0xff: {  	v62 =	vshll.u32 v3, $0x3  }
0x100: {  	v3 =	vand.u32 $0x7, v3;
	v4 =	vand.u32 $0xFFFFFFC0, v62  }
0x101: {  	v3 =	vor.u32 v3, v4  }
0x102: {  	v4 =	vperm.xlane v3, v0;
	_ =	sdelay $0x1  }
0x103: {  	v4 =	vadd.s32 v1, v4;
	_ =	sdelay $0x3  }
0x104: {  	s17 =	simm.s32 $0x10100  }
0x105: {  	[tilespmem:s17], [sflag:$0x2] =	stream.indirect_vreg.gather [hbm4b:s2+s3], $0x80, v4, vm0, $0xb8;
	[tilespmem:$0x18100] =	vst v63  }
0x106: {  	v3 =	vperm.xlane v3, v2;
	s17 =	simm.s32 $0x10900  }
0x107: {  	[tilespmem:s17], [sflag:$0x2] =	stream.indirect_vreg.gather [hbm4b:s5+s3], $0x80, v4, vm0, $0xb8;
	[tilespmem:$0x18100] =	vst v63  }
0x108: {  	v3 =	vadd.s32 v1, v3;
	s17 =	simm.s32 $0x11100  }
0x109: {  	[tilespmem:s17], [sflag:$0x2] =	stream.indirect_vreg.gather [hbm4b:s6+s3], $0x80, v4, vm0, $0xb8;
	[tilespmem:$0x18100] =	vst v63  }
0x10a: {  	s17 =	simm.s32 $0x11900  }
0x10b: {  	[tilespmem:s17], [sflag:$0x2] =	stream.indirect_vreg.gather [hbm4b:s7+s3], $0x80, v4, vm0, $0xb8;
	[tilespmem:$0x18100] =	vst v63  }
0x10c: {  	s17 =	simm.s32 $0x12100  }
0x10d: {  	[tilespmem:s17], [sflag:$0x2] =	stream.indirect_vreg.gather [hbm4b:s2+s3], $0x80, v3, vm0, $0xb8;
	[tilespmem:$0x18100] =	vst v63  }
0x10e: {  	s17 =	simm.s32 $0x12900  }
0x10f: {  	[tilespmem:s17], [sflag:$0x2] =	stream.indirect_vreg.gather [hbm4b:s5+s3], $0x80, v3, vm0, $0xb8;
	[tilespmem:$0x18100] =	vst v63  }
0x110: {  	s17 =	simm.s32 $0x13100  }
0x111: {  	[tilespmem:s17], [sflag:$0x2] =	stream.indirect_vreg.gather [hbm4b:s6+s3], $0x80, v3, vm0, $0xb8;
	[tilespmem:$0x18100] =	vst v63  }
0x112: {  	s17 =	simm.s32 $0x13900  }
0x113: {  	[tilespmem:s17], [sflag:$0x2] =	stream.indirect_vreg.gather [hbm4b:s7+s3], $0x80, v3, vm0, $0xb8;
	[tilespmem:$0x18100] =	vst v63  }
0x114: {  	v3 =	vld [tilespmem:$0xB0];
	_ =	sdelay $0x4  }
0x115: {  	v63 =	vshll.u32 v3, $0x3  }
0x116: {  	v3 =	vand.u32 $0x7, v3;
	v4 =	vand.u32 $0xFFFFFFC0, v63  }
0x117: {  	v3 =	vor.u32 v3, v4  }
0x118: {  	v4 =	vperm.xlane v3, v0;
	_ =	sdelay $0x1  }
0x119: {  	v4 =	vadd.s32 v1, v4;
	_ =	sdelay $0x3  }
0x11a: {  	s17 =	simm.s32 $0x14100  }
0x11b: {  	[tilespmem:s17], [sflag:$0x2] =	stream.indirect_vreg.gather [hbm4b:s2+s3], $0x80, v4, vm0, $0xb8;
	[tilespmem:$0x18100] =	vst v63  }
0x11c: {  	v3 =	vperm.xlane v3, v2;
	s17 =	simm.s32 $0x14900  }
0x11d: {  	[tilespmem:s17], [sflag:$0x2] =	stream.indirect_vreg.gather [hbm4b:s5+s3], $0x80, v4, vm0, $0xb8;
	[tilespmem:$0x18100] =	vst v63  }
0x11e: {  	v3 =	vadd.s32 v1, v3;
	s17 =	simm.s32 $0x15100  }
0x11f: {  	[tilespmem:s17], [sflag:$0x2] =	stream.indirect_vreg.gather [hbm4b:s6+s3], $0x80, v4, vm0, $0xb8;
	[tilespmem:$0x18100] =	vst v63  }
0x120: {  	s17 =	simm.s32 $0x15900  }
0x121: {  	[tilespmem:s17], [sflag:$0x2] =	stream.indirect_vreg.gather [hbm4b:s7+s3], $0x80, v4, vm0, $0xb8;
	[tilespmem:$0x18100] =	vst v63  }
0x122: {  	s17 =	simm.s32 $0x16100  }
0x123: {  	[tilespmem:s17], [sflag:$0x2] =	stream.indirect_vreg.gather [hbm4b:s2+s3], $0x80, v3, vm0, $0xb8;
	[tilespmem:$0x18100] =	vst v63  }
0x124: {  	s17 =	simm.s32 $0x16900  }
0x125: {  	[tilespmem:s17], [sflag:$0x2] =	stream.indirect_vreg.gather [hbm4b:s5+s3], $0x80, v3, vm0, $0xb8;
	[tilespmem:$0x18100] =	vst v63  }
0x126: {  	s17 =	simm.s32 $0x17100  }
0x127: {  	[tilespmem:s17], [sflag:$0x2] =	stream.indirect_vreg.gather [hbm4b:s6+s3], $0x80, v3, vm0, $0xb8;
	[tilespmem:$0x18100] =	vst v63  }
0x128: {  	s17 =	simm.s32 $0x17900  }
0x129: {  	[tilespmem:s17], [sflag:$0x2] =	stream.indirect_vreg.gather [hbm4b:s7+s3], $0x80, v3, vm0, $0xb8;
	[tilespmem:$0x18100] =	vst v63  }
0x12a: {  	_ =	swait.ge [sflag:s0], $0xC000  }
0x12b: {  	[sflag:s0] =	ssyncset.done $0x0  }
0x12c: {  	s8 =	simm.s32 $0x100;
	s17 =	rddreg [dreg:$0x5];
	[sflag:s0] =	ssyncadd.s32 $0xFFFF4000  }
0x12d: {  	[hbm4b:s17+s3] =	stream.linear.scatter [tilespmem:s8], [sflag:$0x3], $0xC000, $0x38;
	[tilespmem:$0x18100] =	vst v63  }
0x12e: {  	_ =	swait.ge [sflag:s4], $0xC000  }
0x12f: {  	[sflag:s4] =	ssyncset.done $0x0  }
0x130: {  	s8 =	rddreg [dreg:$0x6];
	[sflag:s4] =	ssyncadd.s32 $0xFFFF4000  }
0x131: {  	[hbm4b:s8+s3] =	stream.linear.scatter [tilespmem:s16], [sflag:$0x4], $0xC000, $0x38;
	[tilespmem:$0x18100] =	vst v63  }
0x132: {  	p0 =	sne.s32 s10, $0x1;
	_ =	swait.ge [sflag:s1], $0xC000  }
.Ltmp0:
0x133: {  	[sflag:s1] =	ssyncset.done $0x0;
	(pc) =	sbr.rel @p0 .LBB2_1-.Ltmp0, $4  }
0x134: {  	[sflag:s1] =	ssyncadd.s32 $0xFFFF4000  }
0x135: {  	_ =	swait.ge [sflag:s9], $0xC000  }
0x136: {  	[sflag:s9] =	ssyncset.done $0x0  }
0x137: {  	s10 =	sadd.s32 $0xFFFFFFFF, s10;
	[sflag:s9] =	ssyncadd.s32 $0xFFFF4000  }
0x138: {  	_ =	sfence.sel $0x180000  }
0x139: {  	[bflag:$0x0] =	sbarrier.arrive $0xFFFF  }
0x13a: {  	_ =	strace $0x9000004D  }
0x13b: {  	s0 =	stileid.u32;
	[bflag:$0x2] =	sbarrier.arrive $0xFFFF  }
0x13c: {  	p0 =	sne.s32 s0, $0x0;
	s0 =	rddreg [dreg:$0x2]  }
0x13d: {  	s0 =	sadd.s32 @!p0 $0x100000, s0  }
0x13e: {  	[sflag:s0] =	ssyncadd.tile.s32 @!p0 $0x1;
	_ =	shalt  }
.Lfunc_end2:
_tile_overlayer_lowered:
.L_overlay_start_2:
0x13f: {  	(tag) =	ssettag $0x2  }
0x140: {  	s0 =	rddreg [dreg:$0x0];
	s2 =	stileid.u32  }
0x141: {  	s1 =	rddreg [dreg:$0x1];
	p0 =	sne.s32 s2, $0x0  }
0x142: {  	s3 =	rddreg [dreg:$0x2];
	[bflag:$0x3] =	sbarrier.arrive $0xFFFF;
	s2 =	simm.s32 @!p0 $0x1C05  }
0x143: {  	[timem:s3], [sflag:s2] =	dma.local @!p0 [hbm:s0], s1  }
0x144: {  	s0 =	simm.s32 @!p0 $0x5  }
0x145: {  	_ =	swait.ge @!p0 [sflag:s0], s1  }
0x146: {  	s1 =	ssub.s32 @!p0 $0x0, s1;
	[sflag:s0] =	ssyncset.done @!p0 $0x0  }
0x147: {  	[sflag:s0] =	ssyncadd.s32 @!p0 s1  }
0x148: {  	[bflag:$0x3] =	sbarrier.arrive $0xFFFF  }
0x149: {  	_ =	shalt  }

</sc_bundles>
